<compile_context>
chip_gen: v7x
topology: tpu7x:2x2x1
jax: 0.10.2.dev20260603
libtpu: 0.0.44.dev20260713+nightly
codegen_flags: <defaults>
</compile_context>

<pallas_src>
import functools

import jax
import jax.numpy as jnp
from jax import lax
from jax.experimental import pallas as pl
from jax.experimental.pallas import tpu as pltpu
from jax.experimental.pallas import tpu_sc as plsc

_FILL = -10000.0
_VOCAB = 100000
_RESTRICTED = 65
_T = 2048
_HEAD_DMAS = 118
_MAIN_CHUNKS = 3093
_RING = 4


def _patch_body(hs_ref, w_ref, p1_ref, p2_ref):
    logits_t = jax.lax.dot_general(
        w_ref[...], hs_ref[0],
        dimension_numbers=(((1,), (1,)), ((), ())),
        preferred_element_type=jnp.float32)
    p1_ref[...] = jnp.full(p1_ref.shape, _FILL, dtype=jnp.float32)
    p1_ref[4:68, :] = logits_t[0:64, :]
    p2_ref[...] = jnp.full(p2_ref.shape, _FILL, dtype=jnp.float32)
    p2_ref[7:8, :] = logits_t[64:65, :]


def _head_unit(k):
    u = jnp.where(k < 12, k, jnp.where(k < 115, k + 9, k + 10))
    return u * 8


def _sc_body(p1_hbm, p2_hbm, out_hbm, buf, sem):
    wid = lax.axis_index("s") * 2 + lax.axis_index("c")

    def _fill_step(i, c):
        for r in range(32):
            buf[r, pl.ds(i * 16, 16)] = jnp.full((16,), _FILL,
                                                 dtype=jnp.float32)
        return c
    lax.fori_loop(0, _T // 16, _fill_step, 0)

    @pl.when(wid == 0)
    def _head():
        def _start(k):
            pltpu.make_async_copy(
                buf.at[pl.ds(0, 8)],
                out_hbm.at[pl.ds(_head_unit(k), 8)], sem).start()

        def _wait(k):
            pltpu.make_async_copy(
                buf.at[pl.ds(0, 8)],
                out_hbm.at[pl.ds(_head_unit(k), 8)], sem).wait()

        def _step(k, c):
            _start(k)

            @pl.when(k >= _RING)
            def _():
                _wait(k - _RING)
            return c
        lax.fori_loop(0, _HEAD_DMAS, _step, 0)
        for j in range(_RING):
            _wait(_HEAD_DMAS - _RING + j)

        pltpu.sync_copy(p1_hbm, out_hbm.at[pl.ds(96, 72)])
        pltpu.sync_copy(p2_hbm, out_hbm.at[pl.ds(992, 8)])

    @pl.when(wid > 0)
    def _main():
        w = wid - 1
        n_w = jnp.where(w <= 23, 100, 99)

        def _off(k):
            return 1024 + 32 * (w + 31 * k)

        def _start(k):
            pltpu.make_async_copy(
                buf, out_hbm.at[pl.ds(_off(k), 32)], sem).start()

        def _wait(k):
            pltpu.make_async_copy(
                buf, out_hbm.at[pl.ds(_off(k), 32)], sem).wait()

        def _step(k, c):
            _start(k)

            @pl.when(k >= _RING)
            def _():
                _wait(k - _RING)
            return c
        lax.fori_loop(0, n_w, _step, 0)

        def _drain(j, c):
            _wait(n_w - _RING + j)
            return c
        lax.fori_loop(0, _RING, _drain, 0)


def kernel(hidden_states, W):
    B, T, H = hidden_states.shape
    hs = hidden_states.astype(jnp.float32)
    w_pad = jnp.zeros((128, H), dtype=jnp.float32).at[:_RESTRICTED].set(
        W.astype(jnp.float32))

    p1, p2 = pl.pallas_call(
        _patch_body,
        in_specs=[
            pl.BlockSpec((1, T, H), lambda: (0, 0, 0)),
            pl.BlockSpec((128, H), lambda: (0, 0)),
        ],
        out_specs=[
            pl.BlockSpec((72, T), lambda: (0, 0)),
            pl.BlockSpec((8, T), lambda: (0, 0)),
        ],
        out_shape=[
            jax.ShapeDtypeStruct((72, T), jnp.float32),
            jax.ShapeDtypeStruct((8, T), jnp.float32),
        ],
    )(hs, w_pad)

    mesh = plsc.VectorSubcoreMesh(core_axis_name="c", subcore_axis_name="s")
    sc_fill = functools.partial(
        pl.kernel,
        out_type=jax.ShapeDtypeStruct((_VOCAB, T), jnp.float32),
        mesh=mesh,
        scratch_types=[
            pltpu.VMEM((32, T), jnp.float32),
            pltpu.SemaphoreType.DMA,
        ],
    )(_sc_body)
    out_t = sc_fill(p1, p2)
    return jnp.swapaxes(out_t, 0, 1)[None]

# --- scband reference (transcript-rebuilt; emitter-appended) ---
"""Pipeline reference for scband-restricted-lmhead-62474594287695 (READ-ONLY COPY).

The authoritative reference and input builder live on the scoring server;
editing this copy changes nothing except your own understanding.
"""

import jax, jax.numpy as jnp
import numpy as np

Z_TOKEN_IDS = list(range(100, 164))
ANSWER_TOKEN_ID = 999
TOKEN_IDS = jnp.array(Z_TOKEN_IDS + [ANSWER_TOKEN_ID], dtype=jnp.int32)
FILL_VALUE = -10000.0
VOCAB_FULL = 100000
HIDDEN = 1024
RESTRICTED = len(Z_TOKEN_IDS) + 1


def setup_inputs(seed: int = 0) -> dict:
    key = jax.random.key(seed)
    k1, k2 = jax.random.split(key)
    hidden_states = jax.random.normal(k1, (1, 2048, HIDDEN), dtype=jnp.float32)
    W = jax.random.normal(k2, (RESTRICTED, HIDDEN), dtype=jnp.float32) * 0.02
    return {"hidden_states": hidden_states, "W": W}


def reference(hidden_states, W):
    # restricted_logits = hidden_states @ W.T in float32
    restricted_logits = jnp.matmul(hidden_states.astype(jnp.float32), W.astype(jnp.float32).T)
    B, T, H = hidden_states.shape
    logits_full = jnp.full((B, T, VOCAB_FULL), FILL_VALUE, dtype=restricted_logits.dtype)
    # index_copy_ along dim 2 -> scatter-overwrite
    logits_full = logits_full.at[:, :, TOKEN_IDS].set(restricted_logits)
    return logits_full

if __name__ == "__main__":
    import jax
    _d = setup_inputs()
    print(jax.jit(kernel)(*tuple(_d.values())))

</pallas_src>

<mosaic_0001>
#map = affine_map<(d0, d1) -> (0, 0)>
module attributes {stable_mosaic.version = 14 : i64} {
  func.func @_sc_body(%arg0: i32, %arg1: i32, %arg2: memref<72x2048xf32, #tpu.memory_space<hbm>>, %arg3: memref<8x2048xf32, #tpu.memory_space<hbm>>, %arg4: memref<100000x2048xf32, #tpu.memory_space<hbm>>, %arg5: memref<32x2048xf32, #tpu.memory_space<vmem>>, %arg6: memref<!tpu.dma_semaphore, #tpu.memory_space<semaphore_mem>>) attributes {dimension_semantics = [#tpu.dimension_semantics<core_parallel>, #tpu.dimension_semantics<subcore_parallel>], iteration_bounds = array<i64: 2, 16>, scalar_prefetch = 0 : i64, scratch_operands = 2 : i64, tpu.core_type = #tpu.core_type<sc_vector_subcore>, window_params = [{transform_indices = #map}, {transform_indices = #map}, {transform_indices = #map}]} {
    %mul3A = arith.constant 2 : i32
    %mul3A_0 = arith.muli %arg1, %mul3A : i32
    %add3A = arith.addi %mul3A_0, %arg0 : i32
    %scan3A = arith.constant 0 : i32
    %scan3A_1 = arith.constant 0 : i32
    %scan3A_2 = arith.constant 128 : i32
    %scan3A_3 = arith.addi %scan3A_1, %scan3A_2 : i32
    %scan3A_4 = arith.constant 1 : i32
    scf.for %scan3A_12 = %scan3A_1 to %scan3A_3 step %scan3A_4  : i32 {
      %broadcast_in_dim3A = arith.constant -1.000000e+04 : f32
      %broadcast_in_dim3A_13 = vector.broadcast %broadcast_in_dim3A : f32 to vector<16xf32>
      %mul3A_14 = arith.constant 16 : i32
      %mul3A_15 = arith.muli %scan3A_12, %mul3A_14 : i32
      %swap3A = arith.constant 0 : i32
      %swap3A_16 = arith.index_cast %swap3A : i32 to index
      %swap3A_17 = arith.index_cast %mul3A_15 : i32 to index
      %swap3A_18 = tpu.vector_load %arg5[%swap3A_16, %swap3A_17] {strides = array<i32>} : memref<32x2048xf32, #tpu.memory_space<vmem>>, vector<1x16xf32>,
      %swap3A_19 = vector.shape_cast %swap3A_18 : vector<1x16xf32> to vector<16xf32>
      %swap3A_20 = vector.shape_cast %broadcast_in_dim3A_13 : vector<16xf32> to vector<1x16xf32>
      tpu.vector_store %arg5[%swap3A_16, %swap3A_17], %swap3A_20 {strides = array<i32>} : memref<32x2048xf32, #tpu.memory_space<vmem>>, vector<1x16xf32>,
      %broadcast_in_dim3A_21 = arith.constant -1.000000e+04 : f32
      %broadcast_in_dim3A_22 = vector.broadcast %broadcast_in_dim3A_21 : f32 to vector<16xf32>
      %mul3A_23 = arith.constant 16 : i32
      %mul3A_24 = arith.muli %scan3A_12, %mul3A_23 : i32
      %swap3A_25 = arith.constant 1 : i32
      %swap3A_26 = arith.index_cast %swap3A_25 : i32 to index
      %swap3A_27 = arith.index_cast %mul3A_24 : i32 to index
      %swap3A_28 = tpu.vector_load %arg5[%swap3A_26, %swap3A_27] {strides = array<i32>} : memref<32x2048xf32, #tpu.memory_space<vmem>>, vector<1x16xf32>,
      %swap3A_29 = vector.shape_cast %swap3A_28 : vector<1x16xf32> to vector<16xf32>
      %swap3A_30 = vector.shape_cast %broadcast_in_dim3A_22 : vector<16xf32> to vector<1x16xf32>
      tpu.vector_store %arg5[%swap3A_26, %swap3A_27], %swap3A_30 {strides = array<i32>} : memref<32x2048xf32, #tpu.memory_space<vmem>>, vector<1x16xf32>,
      %broadcast_in_dim3A_31 = arith.constant -1.000000e+04 : f32
      %broadcast_in_dim3A_32 = vector.broadcast %broadcast_in_dim3A_31 : f32 to vector<16xf32>
      %mul3A_33 = arith.constant 16 : i32
      %mul3A_34 = arith.muli %scan3A_12, %mul3A_33 : i32
      %swap3A_35 = arith.constant 2 : i32
      %swap3A_36 = arith.index_cast %swap3A_35 : i32 to index
      %swap3A_37 = arith.index_cast %mul3A_34 : i32 to index
      %swap3A_38 = tpu.vector_load %arg5[%swap3A_36, %swap3A_37] {strides = array<i32>} : memref<32x2048xf32, #tpu.memory_space<vmem>>, vector<1x16xf32>,
      %swap3A_39 = vector.shape_cast %swap3A_38 : vector<1x16xf32> to vector<16xf32>
      %swap3A_40 = vector.shape_cast %broadcast_in_dim3A_32 : vector<16xf32> to vector<1x16xf32>
      tpu.vector_store %arg5[%swap3A_36, %swap3A_37], %swap3A_40 {strides = array<i32>} : memref<32x2048xf32, #tpu.memory_space<vmem>>, vector<1x16xf32>,
      %broadcast_in_dim3A_41 = arith.constant -1.000000e+04 : f32
      %broadcast_in_dim3A_42 = vector.broadcast %broadcast_in_dim3A_41 : f32 to vector<16xf32>
      %mul3A_43 = arith.constant 16 : i32
      %mul3A_44 = arith.muli %scan3A_12, %mul3A_43 : i32
      %swap3A_45 = arith.constant 3 : i32
      %swap3A_46 = arith.index_cast %swap3A_45 : i32 to index
      %swap3A_47 = arith.index_cast %mul3A_44 : i32 to index
      %swap3A_48 = tpu.vector_load %arg5[%swap3A_46, %swap3A_47] {strides = array<i32>} : memref<32x2048xf32, #tpu.memory_space<vmem>>, vector<1x16xf32>,
      %swap3A_49 = vector.shape_cast %swap3A_48 : vector<1x16xf32> to vector<16xf32>
      %swap3A_50 = vector.shape_cast %broadcast_in_dim3A_42 : vector<16xf32> to vector<1x16xf32>
      tpu.vector_store %arg5[%swap3A_46, %swap3A_47], %swap3A_50 {strides = array<i32>} : memref<32x2048xf32, #tpu.memory_space<vmem>>, vector<1x16xf32>,
      %broadcast_in_dim3A_51 = arith.constant -1.000000e+04 : f32
      %broadcast_in_dim3A_52 = vector.broadcast %broadcast_in_dim3A_51 : f32 to vector<16xf32>
      %mul3A_53 = arith.constant 16 : i32
      %mul3A_54 = arith.muli %scan3A_12, %mul3A_53 : i32
      %swap3A_55 = arith.constant 4 : i32
      %swap3A_56 = arith.index_cast %swap3A_55 : i32 to index
      %swap3A_57 = arith.index_cast %mul3A_54 : i32 to index
      %swap3A_58 = tpu.vector_load %arg5[%swap3A_56, %swap3A_57] {strides = array<i32>} : memref<32x2048xf32, #tpu.memory_space<vmem>>, vector<1x16xf32>,
      %swap3A_59 = vector.shape_cast %swap3A_58 : vector<1x16xf32> to vector<16xf32>
      %swap3A_60 = vector.shape_cast %broadcast_in_dim3A_52 : vector<16xf32> to vector<1x16xf32>
      tpu.vector_store %arg5[%swap3A_56, %swap3A_57], %swap3A_60 {strides = array<i32>} : memref<32x2048xf32, #tpu.memory_space<vmem>>, vector<1x16xf32>,
      %broadcast_in_dim3A_61 = arith.constant -1.000000e+04 : f32
      %broadcast_in_dim3A_62 = vector.broadcast %broadcast_in_dim3A_61 : f32 to vector<16xf32>
      %mul3A_63 = arith.constant 16 : i32
      %mul3A_64 = arith.muli %scan3A_12, %mul3A_63 : i32
      %swap3A_65 = arith.constant 5 : i32
      %swap3A_66 = arith.index_cast %swap3A_65 : i32 to index
      %swap3A_67 = arith.index_cast %mul3A_64 : i32 to index
      %swap3A_68 = tpu.vector_load %arg5[%swap3A_66, %swap3A_67] {strides = array<i32>} : memref<32x2048xf32, #tpu.memory_space<vmem>>, vector<1x16xf32>,
      %swap3A_69 = vector.shape_cast %swap3A_68 : vector<1x16xf32> to vector<16xf32>
      %swap3A_70 = vector.shape_cast %broadcast_in_dim3A_62 : vector<16xf32> to vector<1x16xf32>
      tpu.vector_store %arg5[%swap3A_66, %swap3A_67], %swap3A_70 {strides = array<i32>} : memref<32x2048xf32, #tpu.memory_space<vmem>>, vector<1x16xf32>,
      %broadcast_in_dim3A_71 = arith.constant -1.000000e+04 : f32
      %broadcast_in_dim3A_72 = vector.broadcast %broadcast_in_dim3A_71 : f32 to vector<16xf32>
      %mul3A_73 = arith.constant 16 : i32
      %mul3A_74 = arith.muli %scan3A_12, %mul3A_73 : i32
      %swap3A_75 = arith.constant 6 : i32
      %swap3A_76 = arith.index_cast %swap3A_75 : i32 to index
      %swap3A_77 = arith.index_cast %mul3A_74 : i32 to index
      %swap3A_78 = tpu.vector_load %arg5[%swap3A_76, %swap3A_77] {strides = array<i32>} : memref<32x2048xf32, #tpu.memory_space<vmem>>, vector<1x16xf32>,
      %swap3A_79 = vector.shape_cast %swap3A_78 : vector<1x16xf32> to vector<16xf32>
      %swap3A_80 = vector.shape_cast %broadcast_in_dim3A_72 : vector<16xf32> to vector<1x16xf32>
      tpu.vector_store %arg5[%swap3A_76, %swap3A_77], %swap3A_80 {strides = array<i32>} : memref<32x2048xf32, #tpu.memory_space<vmem>>, vector<1x16xf32>,
      %broadcast_in_dim3A_81 = arith.constant -1.000000e+04 : f32
      %broadcast_in_dim3A_82 = vector.broadcast %broadcast_in_dim3A_81 : f32 to vector<16xf32>
      %mul3A_83 = arith.constant 16 : i32
      %mul3A_84 = arith.muli %scan3A_12, %mul3A_83 : i32
      %swap3A_85 = arith.constant 7 : i32
      %swap3A_86 = arith.index_cast %swap3A_85 : i32 to index
      %swap3A_87 = arith.index_cast %mul3A_84 : i32 to index
      %swap3A_88 = tpu.vector_load %arg5[%swap3A_86, %swap3A_87] {strides = array<i32>} : memref<32x2048xf32, #tpu.memory_space<vmem>>, vector<1x16xf32>,
      %swap3A_89 = vector.shape_cast %swap3A_88 : vector<1x16xf32> to vector<16xf32>
      %swap3A_90 = vector.shape_cast %broadcast_in_dim3A_82 : vector<16xf32> to vector<1x16xf32>
      tpu.vector_store %arg5[%swap3A_86, %swap3A_87], %swap3A_90 {strides = array<i32>} : memref<32x2048xf32, #tpu.memory_space<vmem>>, vector<1x16xf32>,
      %broadcast_in_dim3A_91 = arith.constant -1.000000e+04 : f32
      %broadcast_in_dim3A_92 = vector.broadcast %broadcast_in_dim3A_91 : f32 to vector<16xf32>
      %mul3A_93 = arith.constant 16 : i32
      %mul3A_94 = arith.muli %scan3A_12, %mul3A_93 : i32
      %swap3A_95 = arith.constant 8 : i32
      %swap3A_96 = arith.index_cast %swap3A_95 : i32 to index
      %swap3A_97 = arith.index_cast %mul3A_94 : i32 to index
      %swap3A_98 = tpu.vector_load %arg5[%swap3A_96, %swap3A_97] {strides = array<i32>} : memref<32x2048xf32, #tpu.memory_space<vmem>>, vector<1x16xf32>,
      %swap3A_99 = vector.shape_cast %swap3A_98 : vector<1x16xf32> to vector<16xf32>
      %swap3A_100 = vector.shape_cast %broadcast_in_dim3A_92 : vector<16xf32> to vector<1x16xf32>
      tpu.vector_store %arg5[%swap3A_96, %swap3A_97], %swap3A_100 {strides = array<i32>} : memref<32x2048xf32, #tpu.memory_space<vmem>>, vector<1x16xf32>,
      %broadcast_in_dim3A_101 = arith.constant -1.000000e+04 : f32
      %broadcast_in_dim3A_102 = vector.broadcast %broadcast_in_dim3A_101 : f32 to vector<16xf32>
      %mul3A_103 = arith.constant 16 : i32
      %mul3A_104 = arith.muli %scan3A_12, %mul3A_103 : i32
      %swap3A_105 = arith.constant 9 : i32
      %swap3A_106 = arith.index_cast %swap3A_105 : i32 to index
      %swap3A_107 = arith.index_cast %mul3A_104 : i32 to index
      %swap3A_108 = tpu.vector_load %arg5[%swap3A_106, %swap3A_107] {strides = array<i32>} : memref<32x2048xf32, #tpu.memory_space<vmem>>, vector<1x16xf32>,
      %swap3A_109 = vector.shape_cast %swap3A_108 : vector<1x16xf32> to vector<16xf32>
      %swap3A_110 = vector.shape_cast %broadcast_in_dim3A_102 : vector<16xf32> to vector<1x16xf32>
      tpu.vector_store %arg5[%swap3A_106, %swap3A_107], %swap3A_110 {strides = array<i32>} : memref<32x2048xf32, #tpu.memory_space<vmem>>, vector<1x16xf32>,
      %broadcast_in_dim3A_111 = arith.constant -1.000000e+04 : f32
      %broadcast_in_dim3A_112 = vector.broadcast %broadcast_in_dim3A_111 : f32 to vector<16xf32>
      %mul3A_113 = arith.constant 16 : i32
      %mul3A_114 = arith.muli %scan3A_12, %mul3A_113 : i32
      %swap3A_115 = arith.constant 10 : i32
      %swap3A_116 = arith.index_cast %swap3A_115 : i32 to index
      %swap3A_117 = arith.index_cast %mul3A_114 : i32 to index
      %swap3A_118 = tpu.vector_load %arg5[%swap3A_116, %swap3A_117] {strides = array<i32>} : memref<32x2048xf32, #tpu.memory_space<vmem>>, vector<1x16xf32>,
      %swap3A_119 = vector.shape_cast %swap3A_118 : vector<1x16xf32> to vector<16xf32>
      %swap3A_120 = vector.shape_cast %broadcast_in_dim3A_112 : vector<16xf32> to vector<1x16xf32>
      tpu.vector_store %arg5[%swap3A_116, %swap3A_117], %swap3A_120 {strides = array<i32>} : memref<32x2048xf32, #tpu.memory_space<vmem>>, vector<1x16xf32>,
      %broadcast_in_dim3A_121 = arith.constant -1.000000e+04 : f32
      %broadcast_in_dim3A_122 = vector.broadcast %broadcast_in_dim3A_121 : f32 to vector<16xf32>
      %mul3A_123 = arith.constant 16 : i32
      %mul3A_124 = arith.muli %scan3A_12, %mul3A_123 : i32
      %swap3A_125 = arith.constant 11 : i32
      %swap3A_126 = arith.index_cast %swap3A_125 : i32 to index
      %swap3A_127 = arith.index_cast %mul3A_124 : i32 to index
      %swap3A_128 = tpu.vector_load %arg5[%swap3A_126, %swap3A_127] {strides = array<i32>} : memref<32x2048xf32, #tpu.memory_space<vmem>>, vector<1x16xf32>,
      %swap3A_129 = vector.shape_cast %swap3A_128 : vector<1x16xf32> to vector<16xf32>
      %swap3A_130 = vector.shape_cast %broadcast_in_dim3A_122 : vector<16xf32> to vector<1x16xf32>
      tpu.vector_store %arg5[%swap3A_126, %swap3A_127], %swap3A_130 {strides = array<i32>} : memref<32x2048xf32, #tpu.memory_space<vmem>>, vector<1x16xf32>,
      %broadcast_in_dim3A_131 = arith.constant -1.000000e+04 : f32
      %broadcast_in_dim3A_132 = vector.broadcast %broadcast_in_dim3A_131 : f32 to vector<16xf32>
      %mul3A_133 = arith.constant 16 : i32
      %mul3A_134 = arith.muli %scan3A_12, %mul3A_133 : i32
      %swap3A_135 = arith.constant 12 : i32
      %swap3A_136 = arith.index_cast %swap3A_135 : i32 to index
      %swap3A_137 = arith.index_cast %mul3A_134 : i32 to index
      %swap3A_138 = tpu.vector_load %arg5[%swap3A_136, %swap3A_137] {strides = array<i32>} : memref<32x2048xf32, #tpu.memory_space<vmem>>, vector<1x16xf32>,
      %swap3A_139 = vector.shape_cast %swap3A_138 : vector<1x16xf32> to vector<16xf32>
      %swap3A_140 = vector.shape_cast %broadcast_in_dim3A_132 : vector<16xf32> to vector<1x16xf32>
      tpu.vector_store %arg5[%swap3A_136, %swap3A_137], %swap3A_140 {strides = array<i32>} : memref<32x2048xf32, #tpu.memory_space<vmem>>, vector<1x16xf32>,
      %broadcast_in_dim3A_141 = arith.constant -1.000000e+04 : f32
      %broadcast_in_dim3A_142 = vector.broadcast %broadcast_in_dim3A_141 : f32 to vector<16xf32>
      %mul3A_143 = arith.constant 16 : i32
      %mul3A_144 = arith.muli %scan3A_12, %mul3A_143 : i32
      %swap3A_145 = arith.constant 13 : i32
      %swap3A_146 = arith.index_cast %swap3A_145 : i32 to index
      %swap3A_147 = arith.index_cast %mul3A_144 : i32 to index
      %swap3A_148 = tpu.vector_load %arg5[%swap3A_146, %swap3A_147] {strides = array<i32>} : memref<32x2048xf32, #tpu.memory_space<vmem>>, vector<1x16xf32>,
      %swap3A_149 = vector.shape_cast %swap3A_148 : vector<1x16xf32> to vector<16xf32>
      %swap3A_150 = vector.shape_cast %broadcast_in_dim3A_142 : vector<16xf32> to vector<1x16xf32>
      tpu.vector_store %arg5[%swap3A_146, %swap3A_147], %swap3A_150 {strides = array<i32>} : memref<32x2048xf32, #tpu.memory_space<vmem>>, vector<1x16xf32>,
      %broadcast_in_dim3A_151 = arith.constant -1.000000e+04 : f32
      %broadcast_in_dim3A_152 = vector.broadcast %broadcast_in_dim3A_151 : f32 to vector<16xf32>
      %mul3A_153 = arith.constant 16 : i32
      %mul3A_154 = arith.muli %scan3A_12, %mul3A_153 : i32
      %swap3A_155 = arith.constant 14 : i32
      %swap3A_156 = arith.index_cast %swap3A_155 : i32 to index
      %swap3A_157 = arith.index_cast %mul3A_154 : i32 to index
      %swap3A_158 = tpu.vector_load %arg5[%swap3A_156, %swap3A_157] {strides = array<i32>} : memref<32x2048xf32, #tpu.memory_space<vmem>>, vector<1x16xf32>,
      %swap3A_159 = vector.shape_cast %swap3A_158 : vector<1x16xf32> to vector<16xf32>
      %swap3A_160 = vector.shape_cast %broadcast_in_dim3A_152 : vector<16xf32> to vector<1x16xf32>
      tpu.vector_store %arg5[%swap3A_156, %swap3A_157], %swap3A_160 {strides = array<i32>} : memref<32x2048xf32, #tpu.memory_space<vmem>>, vector<1x16xf32>,
      %broadcast_in_dim3A_161 = arith.constant -1.000000e+04 : f32
      %broadcast_in_dim3A_162 = vector.broadcast %broadcast_in_dim3A_161 : f32 to vector<16xf32>
      %mul3A_163 = arith.constant 16 : i32
      %mul3A_164 = arith.muli %scan3A_12, %mul3A_163 : i32
      %swap3A_165 = arith.constant 15 : i32
      %swap3A_166 = arith.index_cast %swap3A_165 : i32 to index
      %swap3A_167 = arith.index_cast %mul3A_164 : i32 to index
      %swap3A_168 = tpu.vector_load %arg5[%swap3A_166, %swap3A_167] {strides = array<i32>} : memref<32x2048xf32, #tpu.memory_space<vmem>>, vector<1x16xf32>,
      %swap3A_169 = vector.shape_cast %swap3A_168 : vector<1x16xf32> to vector<16xf32>
      %swap3A_170 = vector.shape_cast %broadcast_in_dim3A_162 : vector<16xf32> to vector<1x16xf32>
      tpu.vector_store %arg5[%swap3A_166, %swap3A_167], %swap3A_170 {strides = array<i32>} : memref<32x2048xf32, #tpu.memory_space<vmem>>, vector<1x16xf32>,
      %broadcast_in_dim3A_171 = arith.constant -1.000000e+04 : f32
      %broadcast_in_dim3A_172 = vector.broadcast %broadcast_in_dim3A_171 : f32 to vector<16xf32>
      %mul3A_173 = arith.constant 16 : i32
      %mul3A_174 = arith.muli %scan3A_12, %mul3A_173 : i32
      %swap3A_175 = arith.constant 16 : i32
      %swap3A_176 = arith.index_cast %swap3A_175 : i32 to index
      %swap3A_177 = arith.index_cast %mul3A_174 : i32 to index
      %swap3A_178 = tpu.vector_load %arg5[%swap3A_176, %swap3A_177] {strides = array<i32>} : memref<32x2048xf32, #tpu.memory_space<vmem>>, vector<1x16xf32>,
      %swap3A_179 = vector.shape_cast %swap3A_178 : vector<1x16xf32> to vector<16xf32>
      %swap3A_180 = vector.shape_cast %broadcast_in_dim3A_172 : vector<16xf32> to vector<1x16xf32>
      tpu.vector_store %arg5[%swap3A_176, %swap3A_177], %swap3A_180 {strides = array<i32>} : memref<32x2048xf32, #tpu.memory_space<vmem>>, vector<1x16xf32>,
      %broadcast_in_dim3A_181 = arith.constant -1.000000e+04 : f32
      %broadcast_in_dim3A_182 = vector.broadcast %broadcast_in_dim3A_181 : f32 to vector<16xf32>
      %mul3A_183 = arith.constant 16 : i32
      %mul3A_184 = arith.muli %scan3A_12, %mul3A_183 : i32
      %swap3A_185 = arith.constant 17 : i32
      %swap3A_186 = arith.index_cast %swap3A_185 : i32 to index
      %swap3A_187 = arith.index_cast %mul3A_184 : i32 to index
      %swap3A_188 = tpu.vector_load %arg5[%swap3A_186, %swap3A_187] {strides = array<i32>} : memref<32x2048xf32, #tpu.memory_space<vmem>>, vector<1x16xf32>,
      %swap3A_189 = vector.shape_cast %swap3A_188 : vector<1x16xf32> to vector<16xf32>
      %swap3A_190 = vector.shape_cast %broadcast_in_dim3A_182 : vector<16xf32> to vector<1x16xf32>
      tpu.vector_store %arg5[%swap3A_186, %swap3A_187], %swap3A_190 {strides = array<i32>} : memref<32x2048xf32, #tpu.memory_space<vmem>>, vector<1x16xf32>,
      %broadcast_in_dim3A_191 = arith.constant -1.000000e+04 : f32
      %broadcast_in_dim3A_192 = vector.broadcast %broadcast_in_dim3A_191 : f32 to vector<16xf32>
      %mul3A_193 = arith.constant 16 : i32
      %mul3A_194 = arith.muli %scan3A_12, %mul3A_193 : i32
      %swap3A_195 = arith.constant 18 : i32
      %swap3A_196 = arith.index_cast %swap3A_195 : i32 to index
      %swap3A_197 = arith.index_cast %mul3A_194 : i32 to index
      %swap3A_198 = tpu.vector_load %arg5[%swap3A_196, %swap3A_197] {strides = array<i32>} : memref<32x2048xf32, #tpu.memory_space<vmem>>, vector<1x16xf32>,
      %swap3A_199 = vector.shape_cast %swap3A_198 : vector<1x16xf32> to vector<16xf32>
      %swap3A_200 = vector.shape_cast %broadcast_in_dim3A_192 : vector<16xf32> to vector<1x16xf32>
      tpu.vector_store %arg5[%swap3A_196, %swap3A_197], %swap3A_200 {strides = array<i32>} : memref<32x2048xf32, #tpu.memory_space<vmem>>, vector<1x16xf32>,
      %broadcast_in_dim3A_201 = arith.constant -1.000000e+04 : f32
      %broadcast_in_dim3A_202 = vector.broadcast %broadcast_in_dim3A_201 : f32 to vector<16xf32>
      %mul3A_203 = arith.constant 16 : i32
      %mul3A_204 = arith.muli %scan3A_12, %mul3A_203 : i32
      %swap3A_205 = arith.constant 19 : i32
      %swap3A_206 = arith.index_cast %swap3A_205 : i32 to index
      %swap3A_207 = arith.index_cast %mul3A_204 : i32 to index
      %swap3A_208 = tpu.vector_load %arg5[%swap3A_206, %swap3A_207] {strides = array<i32>} : memref<32x2048xf32, #tpu.memory_space<vmem>>, vector<1x16xf32>,
      %swap3A_209 = vector.shape_cast %swap3A_208 : vector<1x16xf32> to vector<16xf32>
      %swap3A_210 = vector.shape_cast %broadcast_in_dim3A_202 : vector<16xf32> to vector<1x16xf32>
      tpu.vector_store %arg5[%swap3A_206, %swap3A_207], %swap3A_210 {strides = array<i32>} : memref<32x2048xf32, #tpu.memory_space<vmem>>, vector<1x16xf32>,
      %broadcast_in_dim3A_211 = arith.constant -1.000000e+04 : f32
      %broadcast_in_dim3A_212 = vector.broadcast %broadcast_in_dim3A_211 : f32 to vector<16xf32>
      %mul3A_213 = arith.constant 16 : i32
      %mul3A_214 = arith.muli %scan3A_12, %mul3A_213 : i32
      %swap3A_215 = arith.constant 20 : i32
      %swap3A_216 = arith.index_cast %swap3A_215 : i32 to index
      %swap3A_217 = arith.index_cast %mul3A_214 : i32 to index
      %swap3A_218 = tpu.vector_load %arg5[%swap3A_216, %swap3A_217] {strides = array<i32>} : memref<32x2048xf32, #tpu.memory_space<vmem>>, vector<1x16xf32>,
      %swap3A_219 = vector.shape_cast %swap3A_218 : vector<1x16xf32> to vector<16xf32>
      %swap3A_220 = vector.shape_cast %broadcast_in_dim3A_212 : vector<16xf32> to vector<1x16xf32>
      tpu.vector_store %arg5[%swap3A_216, %swap3A_217], %swap3A_220 {strides = array<i32>} : memref<32x2048xf32, #tpu.memory_space<vmem>>, vector<1x16xf32>,
      %broadcast_in_dim3A_221 = arith.constant -1.000000e+04 : f32
      %broadcast_in_dim3A_222 = vector.broadcast %broadcast_in_dim3A_221 : f32 to vector<16xf32>
      %mul3A_223 = arith.constant 16 : i32
      %mul3A_224 = arith.muli %scan3A_12, %mul3A_223 : i32
      %swap3A_225 = arith.constant 21 : i32
      %swap3A_226 = arith.index_cast %swap3A_225 : i32 to index
      %swap3A_227 = arith.index_cast %mul3A_224 : i32 to index
      %swap3A_228 = tpu.vector_load %arg5[%swap3A_226, %swap3A_227] {strides = array<i32>} : memref<32x2048xf32, #tpu.memory_space<vmem>>, vector<1x16xf32>,
      %swap3A_229 = vector.shape_cast %swap3A_228 : vector<1x16xf32> to vector<16xf32>
      %swap3A_230 = vector.shape_cast %broadcast_in_dim3A_222 : vector<16xf32> to vector<1x16xf32>
      tpu.vector_store %arg5[%swap3A_226, %swap3A_227], %swap3A_230 {strides = array<i32>} : memref<32x2048xf32, #tpu.memory_space<vmem>>, vector<1x16xf32>,
      %broadcast_in_dim3A_231 = arith.constant -1.000000e+04 : f32
      %broadcast_in_dim3A_232 = vector.broadcast %broadcast_in_dim3A_231 : f32 to vector<16xf32>
      %mul3A_233 = arith.constant 16 : i32
      %mul3A_234 = arith.muli %scan3A_12, %mul3A_233 : i32
      %swap3A_235 = arith.constant 22 : i32
      %swap3A_236 = arith.index_cast %swap3A_235 : i32 to index
      %swap3A_237 = arith.index_cast %mul3A_234 : i32 to index
      %swap3A_238 = tpu.vector_load %arg5[%swap3A_236, %swap3A_237] {strides = array<i32>} : memref<32x2048xf32, #tpu.memory_space<vmem>>, vector<1x16xf32>,
      %swap3A_239 = vector.shape_cast %swap3A_238 : vector<1x16xf32> to vector<16xf32>
      %swap3A_240 = vector.shape_cast %broadcast_in_dim3A_232 : vector<16xf32> to vector<1x16xf32>
      tpu.vector_store %arg5[%swap3A_236, %swap3A_237], %swap3A_240 {strides = array<i32>} : memref<32x2048xf32, #tpu.memory_space<vmem>>, vector<1x16xf32>,
      %broadcast_in_dim3A_241 = arith.constant -1.000000e+04 : f32
      %broadcast_in_dim3A_242 = vector.broadcast %broadcast_in_dim3A_241 : f32 to vector<16xf32>
      %mul3A_243 = arith.constant 16 : i32
      %mul3A_244 = arith.muli %scan3A_12, %mul3A_243 : i32
      %swap3A_245 = arith.constant 23 : i32
      %swap3A_246 = arith.index_cast %swap3A_245 : i32 to index
      %swap3A_247 = arith.index_cast %mul3A_244 : i32 to index
      %swap3A_248 = tpu.vector_load %arg5[%swap3A_246, %swap3A_247] {strides = array<i32>} : memref<32x2048xf32, #tpu.memory_space<vmem>>, vector<1x16xf32>,
      %swap3A_249 = vector.shape_cast %swap3A_248 : vector<1x16xf32> to vector<16xf32>
      %swap3A_250 = vector.shape_cast %broadcast_in_dim3A_242 : vector<16xf32> to vector<1x16xf32>
      tpu.vector_store %arg5[%swap3A_246, %swap3A_247], %swap3A_250 {strides = array<i32>} : memref<32x2048xf32, #tpu.memory_space<vmem>>, vector<1x16xf32>,
      %broadcast_in_dim3A_251 = arith.constant -1.000000e+04 : f32
      %broadcast_in_dim3A_252 = vector.broadcast %broadcast_in_dim3A_251 : f32 to vector<16xf32>
      %mul3A_253 = arith.constant 16 : i32
      %mul3A_254 = arith.muli %scan3A_12, %mul3A_253 : i32
      %swap3A_255 = arith.constant 24 : i32
      %swap3A_256 = arith.index_cast %swap3A_255 : i32 to index
      %swap3A_257 = arith.index_cast %mul3A_254 : i32 to index
      %swap3A_258 = tpu.vector_load %arg5[%swap3A_256, %swap3A_257] {strides = array<i32>} : memref<32x2048xf32, #tpu.memory_space<vmem>>, vector<1x16xf32>,
      %swap3A_259 = vector.shape_cast %swap3A_258 : vector<1x16xf32> to vector<16xf32>
      %swap3A_260 = vector.shape_cast %broadcast_in_dim3A_252 : vector<16xf32> to vector<1x16xf32>
      tpu.vector_store %arg5[%swap3A_256, %swap3A_257], %swap3A_260 {strides = array<i32>} : memref<32x2048xf32, #tpu.memory_space<vmem>>, vector<1x16xf32>,
      %broadcast_in_dim3A_261 = arith.constant -1.000000e+04 : f32
      %broadcast_in_dim3A_262 = vector.broadcast %broadcast_in_dim3A_261 : f32 to vector<16xf32>
      %mul3A_263 = arith.constant 16 : i32
      %mul3A_264 = arith.muli %scan3A_12, %mul3A_263 : i32
      %swap3A_265 = arith.constant 25 : i32
      %swap3A_266 = arith.index_cast %swap3A_265 : i32 to index
      %swap3A_267 = arith.index_cast %mul3A_264 : i32 to index
      %swap3A_268 = tpu.vector_load %arg5[%swap3A_266, %swap3A_267] {strides = array<i32>} : memref<32x2048xf32, #tpu.memory_space<vmem>>, vector<1x16xf32>,
      %swap3A_269 = vector.shape_cast %swap3A_268 : vector<1x16xf32> to vector<16xf32>
      %swap3A_270 = vector.shape_cast %broadcast_in_dim3A_262 : vector<16xf32> to vector<1x16xf32>
      tpu.vector_store %arg5[%swap3A_266, %swap3A_267], %swap3A_270 {strides = array<i32>} : memref<32x2048xf32, #tpu.memory_space<vmem>>, vector<1x16xf32>,
      %broadcast_in_dim3A_271 = arith.constant -1.000000e+04 : f32
      %broadcast_in_dim3A_272 = vector.broadcast %broadcast_in_dim3A_271 : f32 to vector<16xf32>
      %mul3A_273 = arith.constant 16 : i32
      %mul3A_274 = arith.muli %scan3A_12, %mul3A_273 : i32
      %swap3A_275 = arith.constant 26 : i32
      %swap3A_276 = arith.index_cast %swap3A_275 : i32 to index
      %swap3A_277 = arith.index_cast %mul3A_274 : i32 to index
      %swap3A_278 = tpu.vector_load %arg5[%swap3A_276, %swap3A_277] {strides = array<i32>} : memref<32x2048xf32, #tpu.memory_space<vmem>>, vector<1x16xf32>,
      %swap3A_279 = vector.shape_cast %swap3A_278 : vector<1x16xf32> to vector<16xf32>
      %swap3A_280 = vector.shape_cast %broadcast_in_dim3A_272 : vector<16xf32> to vector<1x16xf32>
      tpu.vector_store %arg5[%swap3A_276, %swap3A_277], %swap3A_280 {strides = array<i32>} : memref<32x2048xf32, #tpu.memory_space<vmem>>, vector<1x16xf32>,
      %broadcast_in_dim3A_281 = arith.constant -1.000000e+04 : f32
      %broadcast_in_dim3A_282 = vector.broadcast %broadcast_in_dim3A_281 : f32 to vector<16xf32>
      %mul3A_283 = arith.constant 16 : i32
      %mul3A_284 = arith.muli %scan3A_12, %mul3A_283 : i32
      %swap3A_285 = arith.constant 27 : i32
      %swap3A_286 = arith.index_cast %swap3A_285 : i32 to index
      %swap3A_287 = arith.index_cast %mul3A_284 : i32 to index
      %swap3A_288 = tpu.vector_load %arg5[%swap3A_286, %swap3A_287] {strides = array<i32>} : memref<32x2048xf32, #tpu.memory_space<vmem>>, vector<1x16xf32>,
      %swap3A_289 = vector.shape_cast %swap3A_288 : vector<1x16xf32> to vector<16xf32>
      %swap3A_290 = vector.shape_cast %broadcast_in_dim3A_282 : vector<16xf32> to vector<1x16xf32>
      tpu.vector_store %arg5[%swap3A_286, %swap3A_287], %swap3A_290 {strides = array<i32>} : memref<32x2048xf32, #tpu.memory_space<vmem>>, vector<1x16xf32>,
      %broadcast_in_dim3A_291 = arith.constant -1.000000e+04 : f32
      %broadcast_in_dim3A_292 = vector.broadcast %broadcast_in_dim3A_291 : f32 to vector<16xf32>
      %mul3A_293 = arith.constant 16 : i32
      %mul3A_294 = arith.muli %scan3A_12, %mul3A_293 : i32
      %swap3A_295 = arith.constant 28 : i32
      %swap3A_296 = arith.index_cast %swap3A_295 : i32 to index
      %swap3A_297 = arith.index_cast %mul3A_294 : i32 to index
      %swap3A_298 = tpu.vector_load %arg5[%swap3A_296, %swap3A_297] {strides = array<i32>} : memref<32x2048xf32, #tpu.memory_space<vmem>>, vector<1x16xf32>,
      %swap3A_299 = vector.shape_cast %swap3A_298 : vector<1x16xf32> to vector<16xf32>
      %swap3A_300 = vector.shape_cast %broadcast_in_dim3A_292 : vector<16xf32> to vector<1x16xf32>
      tpu.vector_store %arg5[%swap3A_296, %swap3A_297], %swap3A_300 {strides = array<i32>} : memref<32x2048xf32, #tpu.memory_space<vmem>>, vector<1x16xf32>,
      %broadcast_in_dim3A_301 = arith.constant -1.000000e+04 : f32
      %broadcast_in_dim3A_302 = vector.broadcast %broadcast_in_dim3A_301 : f32 to vector<16xf32>
      %mul3A_303 = arith.constant 16 : i32
      %mul3A_304 = arith.muli %scan3A_12, %mul3A_303 : i32
      %swap3A_305 = arith.constant 29 : i32
      %swap3A_306 = arith.index_cast %swap3A_305 : i32 to index
      %swap3A_307 = arith.index_cast %mul3A_304 : i32 to index
      %swap3A_308 = tpu.vector_load %arg5[%swap3A_306, %swap3A_307] {strides = array<i32>} : memref<32x2048xf32, #tpu.memory_space<vmem>>, vector<1x16xf32>,
      %swap3A_309 = vector.shape_cast %swap3A_308 : vector<1x16xf32> to vector<16xf32>
      %swap3A_310 = vector.shape_cast %broadcast_in_dim3A_302 : vector<16xf32> to vector<1x16xf32>
      tpu.vector_store %arg5[%swap3A_306, %swap3A_307], %swap3A_310 {strides = array<i32>} : memref<32x2048xf32, #tpu.memory_space<vmem>>, vector<1x16xf32>,
      %broadcast_in_dim3A_311 = arith.constant -1.000000e+04 : f32
      %broadcast_in_dim3A_312 = vector.broadcast %broadcast_in_dim3A_311 : f32 to vector<16xf32>
      %mul3A_313 = arith.constant 16 : i32
      %mul3A_314 = arith.muli %scan3A_12, %mul3A_313 : i32
      %swap3A_315 = arith.constant 30 : i32
      %swap3A_316 = arith.index_cast %swap3A_315 : i32 to index
      %swap3A_317 = arith.index_cast %mul3A_314 : i32 to index
      %swap3A_318 = tpu.vector_load %arg5[%swap3A_316, %swap3A_317] {strides = array<i32>} : memref<32x2048xf32, #tpu.memory_space<vmem>>, vector<1x16xf32>,
      %swap3A_319 = vector.shape_cast %swap3A_318 : vector<1x16xf32> to vector<16xf32>
      %swap3A_320 = vector.shape_cast %broadcast_in_dim3A_312 : vector<16xf32> to vector<1x16xf32>
      tpu.vector_store %arg5[%swap3A_316, %swap3A_317], %swap3A_320 {strides = array<i32>} : memref<32x2048xf32, #tpu.memory_space<vmem>>, vector<1x16xf32>,
      %broadcast_in_dim3A_321 = arith.constant -1.000000e+04 : f32
      %broadcast_in_dim3A_322 = vector.broadcast %broadcast_in_dim3A_321 : f32 to vector<16xf32>
      %mul3A_323 = arith.constant 16 : i32
      %mul3A_324 = arith.muli %scan3A_12, %mul3A_323 : i32
      %swap3A_325 = arith.constant 31 : i32
      %swap3A_326 = arith.index_cast %swap3A_325 : i32 to index
      %swap3A_327 = arith.index_cast %mul3A_324 : i32 to index
      %swap3A_328 = tpu.vector_load %arg5[%swap3A_326, %swap3A_327] {strides = array<i32>} : memref<32x2048xf32, #tpu.memory_space<vmem>>, vector<1x16xf32>,
      %swap3A_329 = vector.shape_cast %swap3A_328 : vector<1x16xf32> to vector<16xf32>
      %swap3A_330 = vector.shape_cast %broadcast_in_dim3A_322 : vector<16xf32> to vector<1x16xf32>
      tpu.vector_store %arg5[%swap3A_326, %swap3A_327], %swap3A_330 {strides = array<i32>} : memref<32x2048xf32, #tpu.memory_space<vmem>>, vector<1x16xf32>,
    }
    %scan3A_5 = arith.constant 128 : i32
    %eq3A = arith.constant 0 : i32
    %eq3A_6 = arith.cmpi eq, %add3A, %eq3A : i32
    %convert_element_type3A = arith.extui %eq3A_6 : i1 to i32
    %cond3A = arith.constant 0 : i32
    %cond3A_7 = arith.cmpi ne, %convert_element_type3A, %cond3A : i32
    scf.if %cond3A_7 {
      %scan3A_12 = arith.constant 0 : i32
      %scan3A_13 = arith.constant 0 : i32
      %scan3A_14 = arith.constant 118 : i32
      %scan3A_15 = arith.addi %scan3A_13, %scan3A_14 : i32
      %scan3A_16 = arith.constant 1 : i32
      scf.for %scan3A_91 = %scan3A_13 to %scan3A_15 step %scan3A_16  : i32 {
        %lt3A = arith.constant 12 : i32
        %lt3A_92 = arith.cmpi slt, %scan3A_91, %lt3A : i32
        %lt3A_93 = arith.constant 115 : i32
        %lt3A_94 = arith.cmpi slt, %scan3A_91, %lt3A_93 : i32
        %add3A_95 = arith.constant 9 : i32
        %add3A_96 = arith.addi %scan3A_91, %add3A_95 : i32
        %add3A_97 = arith.constant 10 : i32
        %add3A_98 = arith.addi %scan3A_91, %add3A_97 : i32
        %select_n3A_99 = arith.select %lt3A_94, %add3A_96, %add3A_98 : i32
        %select_n3A_100 = arith.select %lt3A_92, %scan3A_91, %select_n3A_99 : i32
        %mul3A_101 = arith.constant 8 : i32
        %mul3A_102 = arith.muli %select_n3A_100, %mul3A_101 : i32
        %dma_start3A = arith.constant 0 : i32
        %dma_start3A_103 = arith.constant 0 : i32
        %dma_start3A_104 = tpu.memref_slice %arg5[%dma_start3A, %dma_start3A_103] : memref<32x2048xf32, #tpu.memory_space<vmem>> -> memref<8x2048xf32, #tpu.memory_space<vmem>>
        %dma_start3A_105 = arith.constant 0 : i32
        %dma_start3A_106 = tpu.memref_slice %arg4[%mul3A_102, %dma_start3A_105] : memref<100000x2048xf32, #tpu.memory_space<hbm>> -> memref<8x2048xf32, #tpu.memory_space<hbm>>
        %dma_start3A_107 = arith.constant 0 : i32
        %dma_start3A_108 = tpu.memref_slice %arg4[%mul3A_102, %dma_start3A_107] : memref<100000x2048xf32, #tpu.memory_space<hbm>> -> memref<8x2048xf32, #tpu.memory_space<hbm>>
        %dma_start3A_109 = arith.constant 0 : i32
        %dma_start3A_110 = arith.constant 0 : i32
        %dma_start3A_111 = tpu.memref_slice %arg5[%dma_start3A_109, %dma_start3A_110] : memref<32x2048xf32, #tpu.memory_space<vmem>> -> memref<8x2048xf32, #tpu.memory_space<vmem>>
        tpu.enqueue_dma source(%dma_start3A_111 : memref<8x2048xf32, #tpu.memory_space<vmem>>) target(%dma_start3A_108 : memref<8x2048xf32, #tpu.memory_space<hbm>>) target_semaphore(%arg6 : memref<!tpu.dma_semaphore, #tpu.memory_space<semaphore_mem>>)
        %ge3A = arith.constant 4 : i32
        %ge3A_112 = arith.cmpi sge, %scan3A_91, %ge3A : i32
        %convert_element_type3A_113 = arith.extui %ge3A_112 : i1 to i32
        %cond3A_114 = arith.constant 0 : i32
        %cond3A_115 = arith.cmpi ne, %convert_element_type3A_113, %cond3A_114 : i32
        scf.if %cond3A_115 {
          %sub3A = arith.constant 4 : i32
          %sub3A_116 = arith.subi %scan3A_91, %sub3A : i32
          %lt3A_117 = arith.constant 12 : i32
          %lt3A_118 = arith.cmpi slt, %sub3A_116, %lt3A_117 : i32
          %lt3A_119 = arith.constant 115 : i32
          %lt3A_120 = arith.cmpi slt, %sub3A_116, %lt3A_119 : i32
          %add3A_121 = arith.constant 9 : i32
          %add3A_122 = arith.addi %sub3A_116, %add3A_121 : i32
          %add3A_123 = arith.constant 10 : i32
          %add3A_124 = arith.addi %sub3A_116, %add3A_123 : i32
          %select_n3A_125 = arith.select %lt3A_120, %add3A_122, %add3A_124 : i32
          %select_n3A_126 = arith.select %lt3A_118, %sub3A_116, %select_n3A_125 : i32
          %mul3A_127 = arith.constant 8 : i32
          %mul3A_128 = arith.muli %select_n3A_126, %mul3A_127 : i32
          %dma_wait3A_129 = arith.constant 0 : i32
          %dma_wait3A_130 = arith.constant 0 : i32
          %dma_wait3A_131 = tpu.memref_slice %arg5[%dma_wait3A_129, %dma_wait3A_130] : memref<32x2048xf32, #tpu.memory_space<vmem>> -> memref<8x2048xf32, #tpu.memory_space<vmem>>
          %dma_wait3A_132 = arith.constant 0 : i32
          %dma_wait3A_133 = tpu.memref_slice %arg4[%mul3A_128, %dma_wait3A_132] : memref<100000x2048xf32, #tpu.memory_space<hbm>> -> memref<8x2048xf32, #tpu.memory_space<hbm>>
          %dma_wait3A_134 = arith.constant 0 : i32
          %dma_wait3A_135 = tpu.memref_slice %arg4[%mul3A_128, %dma_wait3A_134] : memref<100000x2048xf32, #tpu.memory_space<hbm>> -> memref<8x2048xf32, #tpu.memory_space<hbm>>
          %dma_wait3A_136 = arith.constant 0 : i32
          %dma_wait3A_137 = arith.constant 0 : i32
          %dma_wait3A_138 = tpu.memref_slice %arg5[%dma_wait3A_136, %dma_wait3A_137] : memref<32x2048xf32, #tpu.memory_space<vmem>> -> memref<8x2048xf32, #tpu.memory_space<vmem>>
          tpu.wait_dma2 semaphore(%arg6 : memref<!tpu.dma_semaphore, #tpu.memory_space<semaphore_mem>>) src(%dma_wait3A_138 : memref<8x2048xf32, #tpu.memory_space<vmem>>) dst(%dma_wait3A_135 : memref<8x2048xf32, #tpu.memory_space<hbm>>)
        } else {
        }
      }
      %scan3A_17 = arith.constant 118 : i32
      %jit3A = arith.constant true
      %jit3A_18 = arith.constant 123 : i32
      %jit3A_19 = arith.constant 124 : i32
      %select_n3A = arith.select %jit3A, %jit3A_18, %jit3A_19 : i32
      %jit3A_20 = arith.constant false
      %jit3A_21 = arith.constant 114 : i32
      %select_n3A_22 = arith.select %jit3A_20, %jit3A_21, %select_n3A : i32
      %mul3A_23 = arith.constant 8 : i32
      %mul3A_24 = arith.muli %select_n3A_22, %mul3A_23 : i32
      %dma_wait3A = arith.constant 0 : i32
      %dma_wait3A_25 = arith.constant 0 : i32
      %dma_wait3A_26 = tpu.memref_slice %arg5[%dma_wait3A, %dma_wait3A_25] : memref<32x2048xf32, #tpu.memory_space<vmem>> -> memref<8x2048xf32, #tpu.memory_space<vmem>>
      %dma_wait3A_27 = arith.constant 0 : i32
      %dma_wait3A_28 = tpu.memref_slice %arg4[%mul3A_24, %dma_wait3A_27] : memref<100000x2048xf32, #tpu.memory_space<hbm>> -> memref<8x2048xf32, #tpu.memory_space<hbm>>
      %dma_wait3A_29 = arith.constant 0 : i32
      %dma_wait3A_30 = tpu.memref_slice %arg4[%mul3A_24, %dma_wait3A_29] : memref<100000x2048xf32, #tpu.memory_space<hbm>> -> memref<8x2048xf32, #tpu.memory_space<hbm>>
      %dma_wait3A_31 = arith.constant 0 : i32
      %dma_wait3A_32 = arith.constant 0 : i32
      %dma_wait3A_33 = tpu.memref_slice %arg5[%dma_wait3A_31, %dma_wait3A_32] : memref<32x2048xf32, #tpu.memory_space<vmem>> -> memref<8x2048xf32, #tpu.memory_space<vmem>>
      tpu.wait_dma2 semaphore(%arg6 : memref<!tpu.dma_semaphore, #tpu.memory_space<semaphore_mem>>) src(%dma_wait3A_33 : memref<8x2048xf32, #tpu.memory_space<vmem>>) dst(%dma_wait3A_30 : memref<8x2048xf32, #tpu.memory_space<hbm>>)
      %jit3A_34 = arith.constant false
      %jit3A_35 = arith.constant 124 : i32
      %jit3A_36 = arith.constant 125 : i32
      %select_n3A_37 = arith.select %jit3A_34, %jit3A_35, %jit3A_36 : i32
      %jit3A_38 = arith.constant false
      %jit3A_39 = arith.constant 115 : i32
      %select_n3A_40 = arith.select %jit3A_38, %jit3A_39, %select_n3A_37 : i32
      %mul3A_41 = arith.constant 8 : i32
      %mul3A_42 = arith.muli %select_n3A_40, %mul3A_41 : i32
      %dma_wait3A_43 = arith.constant 0 : i32
      %dma_wait3A_44 = arith.constant 0 : i32
      %dma_wait3A_45 = tpu.memref_slice %arg5[%dma_wait3A_43, %dma_wait3A_44] : memref<32x2048xf32, #tpu.memory_space<vmem>> -> memref<8x2048xf32, #tpu.memory_space<vmem>>
      %dma_wait3A_46 = arith.constant 0 : i32
      %dma_wait3A_47 = tpu.memref_slice %arg4[%mul3A_42, %dma_wait3A_46] : memref<100000x2048xf32, #tpu.memory_space<hbm>> -> memref<8x2048xf32, #tpu.memory_space<hbm>>
      %dma_wait3A_48 = arith.constant 0 : i32
      %dma_wait3A_49 = tpu.memref_slice %arg4[%mul3A_42, %dma_wait3A_48] : memref<100000x2048xf32, #tpu.memory_space<hbm>> -> memref<8x2048xf32, #tpu.memory_space<hbm>>
      %dma_wait3A_50 = arith.constant 0 : i32
      %dma_wait3A_51 = arith.constant 0 : i32
      %dma_wait3A_52 = tpu.memref_slice %arg5[%dma_wait3A_50, %dma_wait3A_51] : memref<32x2048xf32, #tpu.memory_space<vmem>> -> memref<8x2048xf32, #tpu.memory_space<vmem>>
      tpu.wait_dma2 semaphore(%arg6 : memref<!tpu.dma_semaphore, #tpu.memory_space<semaphore_mem>>) src(%dma_wait3A_52 : memref<8x2048xf32, #tpu.memory_space<vmem>>) dst(%dma_wait3A_49 : memref<8x2048xf32, #tpu.memory_space<hbm>>)
      %jit3A_53 = arith.constant false
      %jit3A_54 = arith.constant 125 : i32
      %jit3A_55 = arith.constant 126 : i32
      %select_n3A_56 = arith.select %jit3A_53, %jit3A_54, %jit3A_55 : i32
      %jit3A_57 = arith.constant false
      %jit3A_58 = arith.constant 116 : i32
      %select_n3A_59 = arith.select %jit3A_57, %jit3A_58, %select_n3A_56 : i32
      %mul3A_60 = arith.constant 8 : i32
      %mul3A_61 = arith.muli %select_n3A_59, %mul3A_60 : i32
      %dma_wait3A_62 = arith.constant 0 : i32
      %dma_wait3A_63 = arith.constant 0 : i32
      %dma_wait3A_64 = tpu.memref_slice %arg5[%dma_wait3A_62, %dma_wait3A_63] : memref<32x2048xf32, #tpu.memory_space<vmem>> -> memref<8x2048xf32, #tpu.memory_space<vmem>>
      %dma_wait3A_65 = arith.constant 0 : i32
      %dma_wait3A_66 = tpu.memref_slice %arg4[%mul3A_61, %dma_wait3A_65] : memref<100000x2048xf32, #tpu.memory_space<hbm>> -> memref<8x2048xf32, #tpu.memory_space<hbm>>
      %dma_wait3A_67 = arith.constant 0 : i32
      %dma_wait3A_68 = tpu.memref_slice %arg4[%mul3A_61, %dma_wait3A_67] : memref<100000x2048xf32, #tpu.memory_space<hbm>> -> memref<8x2048xf32, #tpu.memory_space<hbm>>
      %dma_wait3A_69 = arith.constant 0 : i32
      %dma_wait3A_70 = arith.constant 0 : i32
      %dma_wait3A_71 = tpu.memref_slice %arg5[%dma_wait3A_69, %dma_wait3A_70] : memref<32x2048xf32, #tpu.memory_space<vmem>> -> memref<8x2048xf32, #tpu.memory_space<vmem>>
      tpu.wait_dma2 semaphore(%arg6 : memref<!tpu.dma_semaphore, #tpu.memory_space<semaphore_mem>>) src(%dma_wait3A_71 : memref<8x2048xf32, #tpu.memory_space<vmem>>) dst(%dma_wait3A_68 : memref<8x2048xf32, #tpu.memory_space<hbm>>)
      %jit3A_72 = arith.constant false
      %jit3A_73 = arith.constant 126 : i32
      %jit3A_74 = arith.constant 127 : i32
      %select_n3A_75 = arith.select %jit3A_72, %jit3A_73, %jit3A_74 : i32
      %jit3A_76 = arith.constant false
      %jit3A_77 = arith.constant 117 : i32
      %select_n3A_78 = arith.select %jit3A_76, %jit3A_77, %select_n3A_75 : i32
      %mul3A_79 = arith.constant 8 : i32
      %mul3A_80 = arith.muli %select_n3A_78, %mul3A_79 : i32
      %dma_wait3A_81 = arith.constant 0 : i32
      %dma_wait3A_82 = arith.constant 0 : i32
      %dma_wait3A_83 = tpu.memref_slice %arg5[%dma_wait3A_81, %dma_wait3A_82] : memref<32x2048xf32, #tpu.memory_space<vmem>> -> memref<8x2048xf32, #tpu.memory_space<vmem>>
      %dma_wait3A_84 = arith.constant 0 : i32
      %dma_wait3A_85 = tpu.memref_slice %arg4[%mul3A_80, %dma_wait3A_84] : memref<100000x2048xf32, #tpu.memory_space<hbm>> -> memref<8x2048xf32, #tpu.memory_space<hbm>>
      %dma_wait3A_86 = arith.constant 0 : i32
      %dma_wait3A_87 = tpu.memref_slice %arg4[%mul3A_80, %dma_wait3A_86] : memref<100000x2048xf32, #tpu.memory_space<hbm>> -> memref<8x2048xf32, #tpu.memory_space<hbm>>
      %dma_wait3A_88 = arith.constant 0 : i32
      %dma_wait3A_89 = arith.constant 0 : i32
      %dma_wait3A_90 = tpu.memref_slice %arg5[%dma_wait3A_88, %dma_wait3A_89] : memref<32x2048xf32, #tpu.memory_space<vmem>> -> memref<8x2048xf32, #tpu.memory_space<vmem>>
      tpu.wait_dma2 semaphore(%arg6 : memref<!tpu.dma_semaphore, #tpu.memory_space<semaphore_mem>>) src(%dma_wait3A_90 : memref<8x2048xf32, #tpu.memory_space<vmem>>) dst(%dma_wait3A_87 : memref<8x2048xf32, #tpu.memory_space<hbm>>)
      "tpu.region"() ({
        %run_scoped3A = tpu.sem_alloc : memref<!tpu.dma_semaphore, #tpu.memory_space<semaphore_mem>>
        %dma_start3A = arith.constant 96 : i32
        %dma_start3A_91 = arith.constant 0 : i32
        %dma_start3A_92 = tpu.memref_slice %arg4[%dma_start3A, %dma_start3A_91] : memref<100000x2048xf32, #tpu.memory_space<hbm>> -> memref<72x2048xf32, #tpu.memory_space<hbm>>
        tpu.enqueue_dma source(%arg2 : memref<72x2048xf32, #tpu.memory_space<hbm>>) target(%dma_start3A_92 : memref<72x2048xf32, #tpu.memory_space<hbm>>) target_semaphore(%run_scoped3A : memref<!tpu.dma_semaphore, #tpu.memory_space<semaphore_mem>>)
        %dma_wait3A_93 = arith.constant 96 : i32
        %dma_wait3A_94 = arith.constant 0 : i32
        %dma_wait3A_95 = tpu.memref_slice %arg4[%dma_wait3A_93, %dma_wait3A_94] : memref<100000x2048xf32, #tpu.memory_space<hbm>> -> memref<72x2048xf32, #tpu.memory_space<hbm>>
        tpu.wait_dma2 semaphore(%run_scoped3A : memref<!tpu.dma_semaphore, #tpu.memory_space<semaphore_mem>>) src(%arg2 : memref<72x2048xf32, #tpu.memory_space<hbm>>) dst(%dma_wait3A_95 : memref<72x2048xf32, #tpu.memory_space<hbm>>)
        tpu.yield
      }) : () -> ()
      "tpu.region"() ({
        %run_scoped3A = tpu.sem_alloc : memref<!tpu.dma_semaphore, #tpu.memory_space<semaphore_mem>>
        %dma_start3A = arith.constant 992 : i32
        %dma_start3A_91 = arith.constant 0 : i32
        %dma_start3A_92 = tpu.memref_slice %arg4[%dma_start3A, %dma_start3A_91] : memref<100000x2048xf32, #tpu.memory_space<hbm>> -> memref<8x2048xf32, #tpu.memory_space<hbm>>
        tpu.enqueue_dma source(%arg3 : memref<8x2048xf32, #tpu.memory_space<hbm>>) target(%dma_start3A_92 : memref<8x2048xf32, #tpu.memory_space<hbm>>) target_semaphore(%run_scoped3A : memref<!tpu.dma_semaphore, #tpu.memory_space<semaphore_mem>>)
        %dma_wait3A_93 = arith.constant 992 : i32
        %dma_wait3A_94 = arith.constant 0 : i32
        %dma_wait3A_95 = tpu.memref_slice %arg4[%dma_wait3A_93, %dma_wait3A_94] : memref<100000x2048xf32, #tpu.memory_space<hbm>> -> memref<8x2048xf32, #tpu.memory_space<hbm>>
        tpu.wait_dma2 semaphore(%run_scoped3A : memref<!tpu.dma_semaphore, #tpu.memory_space<semaphore_mem>>) src(%arg3 : memref<8x2048xf32, #tpu.memory_space<hbm>>) dst(%dma_wait3A_95 : memref<8x2048xf32, #tpu.memory_space<hbm>>)
        tpu.yield
      }) : () -> ()
    } else {
    }
    %gt3A = arith.constant 0 : i32
    %gt3A_8 = arith.cmpi sgt, %add3A, %gt3A : i32
    %convert_element_type3A_9 = arith.extui %gt3A_8 : i1 to i32
    %cond3A_10 = arith.constant 0 : i32
    %cond3A_11 = arith.cmpi ne, %convert_element_type3A_9, %cond3A_10 : i32
    scf.if %cond3A_11 {
      %sub3A = arith.constant 1 : i32
      %sub3A_12 = arith.subi %add3A, %sub3A : i32
      %le3A = arith.constant 23 : i32
      %le3A_13 = arith.cmpi sle, %sub3A_12, %le3A : i32
      %jit3A = arith.constant 100 : i32
      %jit3A_14 = arith.constant 99 : i32
      %select_n3A = arith.select %le3A_13, %jit3A, %jit3A_14 : i32
      %while3A = arith.constant 0 : i32
      %while3A_15 = arith.constant 0 : i32
      %while3A_16 = arith.subi %select_n3A, %while3A_15 : i32
      %while3A_17 = arith.addi %while3A_15, %while3A_16 : i32
      %while3A_18 = arith.constant 1 : i32
      %while3A_19 = arith.divsi %while3A_16, %while3A_18 : i32
      %while3A_20 = arith.muli %while3A_19, %while3A_18 : i32
      %while3A_21 = arith.addi %while3A_15, %while3A_20 : i32
      %while3A_22 = arith.constant 1 : i32
      scf.for %while3A_30 = %while3A_15 to %while3A_21 step %while3A_22  : i32 {
        %mul3A_31 = arith.constant 31 : i32
        %mul3A_32 = arith.muli %mul3A_31, %while3A_30 : i32
        %add3A_33 = arith.addi %sub3A_12, %mul3A_32 : i32
        %mul3A_34 = arith.constant 32 : i32
        %mul3A_35 = arith.muli %mul3A_34, %add3A_33 : i32
        %add3A_36 = arith.constant 1024 : i32
        %add3A_37 = arith.addi %add3A_36, %mul3A_35 : i32
        %dma_start3A = arith.constant 0 : i32
        %dma_start3A_38 = tpu.memref_slice %arg4[%add3A_37, %dma_start3A] : memref<100000x2048xf32, #tpu.memory_space<hbm>> -> memref<32x2048xf32, #tpu.memory_space<hbm>>
        %dma_start3A_39 = arith.constant 0 : i32
        %dma_start3A_40 = tpu.memref_slice %arg4[%add3A_37, %dma_start3A_39] : memref<100000x2048xf32, #tpu.memory_space<hbm>> -> memref<32x2048xf32, #tpu.memory_space<hbm>>
        tpu.enqueue_dma source(%arg5 : memref<32x2048xf32, #tpu.memory_space<vmem>>) target(%dma_start3A_40 : memref<32x2048xf32, #tpu.memory_space<hbm>>) target_semaphore(%arg6 : memref<!tpu.dma_semaphore, #tpu.memory_space<semaphore_mem>>)
        %ge3A = arith.constant 4 : i32
        %ge3A_41 = arith.cmpi sge, %while3A_30, %ge3A : i32
        %convert_element_type3A_42 = arith.extui %ge3A_41 : i1 to i32
        %cond3A_43 = arith.constant 0 : i32
        %cond3A_44 = arith.cmpi ne, %convert_element_type3A_42, %cond3A_43 : i32
        scf.if %cond3A_44 {
          %sub3A_45 = arith.constant 4 : i32
          %sub3A_46 = arith.subi %while3A_30, %sub3A_45 : i32
          %mul3A_47 = arith.constant 31 : i32
          %mul3A_48 = arith.muli %mul3A_47, %sub3A_46 : i32
          %add3A_49 = arith.addi %sub3A_12, %mul3A_48 : i32
          %mul3A_50 = arith.constant 32 : i32
          %mul3A_51 = arith.muli %mul3A_50, %add3A_49 : i32
          %add3A_52 = arith.constant 1024 : i32
          %add3A_53 = arith.addi %add3A_52, %mul3A_51 : i32
          %dma_wait3A = arith.constant 0 : i32
          %dma_wait3A_54 = tpu.memref_slice %arg4[%add3A_53, %dma_wait3A] : memref<100000x2048xf32, #tpu.memory_space<hbm>> -> memref<32x2048xf32, #tpu.memory_space<hbm>>
          %dma_wait3A_55 = arith.constant 0 : i32
          %dma_wait3A_56 = tpu.memref_slice %arg4[%add3A_53, %dma_wait3A_55] : memref<100000x2048xf32, #tpu.memory_space<hbm>> -> memref<32x2048xf32, #tpu.memory_space<hbm>>
          tpu.wait_dma2 semaphore(%arg6 : memref<!tpu.dma_semaphore, #tpu.memory_space<semaphore_mem>>) src(%arg5 : memref<32x2048xf32, #tpu.memory_space<vmem>>) dst(%dma_wait3A_56 : memref<32x2048xf32, #tpu.memory_space<hbm>>)
        } else {
        }
      }
      %while3A_23 = arith.constant 1 : i32
      scf.for %while3A_30 = %while3A_21 to %while3A_17 step %while3A_23  : i32 {
        %mul3A_31 = arith.constant 31 : i32
        %mul3A_32 = arith.muli %mul3A_31, %while3A_30 : i32
        %add3A_33 = arith.addi %sub3A_12, %mul3A_32 : i32
        %mul3A_34 = arith.constant 32 : i32
        %mul3A_35 = arith.muli %mul3A_34, %add3A_33 : i32
        %add3A_36 = arith.constant 1024 : i32
        %add3A_37 = arith.addi %add3A_36, %mul3A_35 : i32
        %dma_start3A = arith.constant 0 : i32
        %dma_start3A_38 = tpu.memref_slice %arg4[%add3A_37, %dma_start3A] : memref<100000x2048xf32, #tpu.memory_space<hbm>> -> memref<32x2048xf32, #tpu.memory_space<hbm>>
        %dma_start3A_39 = arith.constant 0 : i32
        %dma_start3A_40 = tpu.memref_slice %arg4[%add3A_37, %dma_start3A_39] : memref<100000x2048xf32, #tpu.memory_space<hbm>> -> memref<32x2048xf32, #tpu.memory_space<hbm>>
        tpu.enqueue_dma source(%arg5 : memref<32x2048xf32, #tpu.memory_space<vmem>>) target(%dma_start3A_40 : memref<32x2048xf32, #tpu.memory_space<hbm>>) target_semaphore(%arg6 : memref<!tpu.dma_semaphore, #tpu.memory_space<semaphore_mem>>)
        %ge3A = arith.constant 4 : i32
        %ge3A_41 = arith.cmpi sge, %while3A_30, %ge3A : i32
        %convert_element_type3A_42 = arith.extui %ge3A_41 : i1 to i32
        %cond3A_43 = arith.constant 0 : i32
        %cond3A_44 = arith.cmpi ne, %convert_element_type3A_42, %cond3A_43 : i32
        scf.if %cond3A_44 {
          %sub3A_45 = arith.constant 4 : i32
          %sub3A_46 = arith.subi %while3A_30, %sub3A_45 : i32
          %mul3A_47 = arith.constant 31 : i32
          %mul3A_48 = arith.muli %mul3A_47, %sub3A_46 : i32
          %add3A_49 = arith.addi %sub3A_12, %mul3A_48 : i32
          %mul3A_50 = arith.constant 32 : i32
          %mul3A_51 = arith.muli %mul3A_50, %add3A_49 : i32
          %add3A_52 = arith.constant 1024 : i32
          %add3A_53 = arith.addi %add3A_52, %mul3A_51 : i32
          %dma_wait3A = arith.constant 0 : i32
          %dma_wait3A_54 = tpu.memref_slice %arg4[%add3A_53, %dma_wait3A] : memref<100000x2048xf32, #tpu.memory_space<hbm>> -> memref<32x2048xf32, #tpu.memory_space<hbm>>
          %dma_wait3A_55 = arith.constant 0 : i32
          %dma_wait3A_56 = tpu.memref_slice %arg4[%add3A_53, %dma_wait3A_55] : memref<100000x2048xf32, #tpu.memory_space<hbm>> -> memref<32x2048xf32, #tpu.memory_space<hbm>>
          tpu.wait_dma2 semaphore(%arg6 : memref<!tpu.dma_semaphore, #tpu.memory_space<semaphore_mem>>) src(%arg5 : memref<32x2048xf32, #tpu.memory_space<vmem>>) dst(%dma_wait3A_56 : memref<32x2048xf32, #tpu.memory_space<hbm>>)
        } else {
        }
      }
      %scan3A_24 = arith.constant 0 : i32
      %scan3A_25 = arith.constant 0 : i32
      %scan3A_26 = arith.constant 4 : i32
      %scan3A_27 = arith.addi %scan3A_25, %scan3A_26 : i32
      %scan3A_28 = arith.constant 1 : i32
      scf.for %scan3A_30 = %scan3A_25 to %scan3A_27 step %scan3A_28  : i32 {
        %sub3A_31 = arith.constant 4 : i32
        %sub3A_32 = arith.subi %select_n3A, %sub3A_31 : i32
        %add3A_33 = arith.addi %sub3A_32, %scan3A_30 : i32
        %mul3A_34 = arith.constant 31 : i32
        %mul3A_35 = arith.muli %mul3A_34, %add3A_33 : i32
        %add3A_36 = arith.addi %sub3A_12, %mul3A_35 : i32
        %mul3A_37 = arith.constant 32 : i32
        %mul3A_38 = arith.muli %mul3A_37, %add3A_36 : i32
        %add3A_39 = arith.constant 1024 : i32
        %add3A_40 = arith.addi %add3A_39, %mul3A_38 : i32
        %dma_wait3A = arith.constant 0 : i32
        %dma_wait3A_41 = tpu.memref_slice %arg4[%add3A_40, %dma_wait3A] : memref<100000x2048xf32, #tpu.memory_space<hbm>> -> memref<32x2048xf32, #tpu.memory_space<hbm>>
        %dma_wait3A_42 = arith.constant 0 : i32
        %dma_wait3A_43 = tpu.memref_slice %arg4[%add3A_40, %dma_wait3A_42] : memref<100000x2048xf32, #tpu.memory_space<hbm>> -> memref<32x2048xf32, #tpu.memory_space<hbm>>
        tpu.wait_dma2 semaphore(%arg6 : memref<!tpu.dma_semaphore, #tpu.memory_space<semaphore_mem>>) src(%arg5 : memref<32x2048xf32, #tpu.memory_space<vmem>>) dst(%dma_wait3A_43 : memref<32x2048xf32, #tpu.memory_space<hbm>>)
      }
      %scan3A_29 = arith.constant 4 : i32
    } else {
    }
    return
  }
}

module attributes {stable_mosaic.version = 14 : i64} {
  func.func @_patch_body(%arg0: memref<1x2048x1024xf32, #tpu.memory_space<vmem>>, %arg1: memref<128x1024xf32, #tpu.memory_space<vmem>>, %arg2: memref<72x2048xf32, #tpu.memory_space<vmem>>, %arg3: memref<8x2048xf32, #tpu.memory_space<vmem>>) attributes {dimension_semantics = [], scalar_prefetch = 0 : i64, scratch_operands = 0 : i64, tpu.core_type = #tpu.core_type<tc>} {
    %get3A = arith.constant 0 : index
    %get3A_0 = arith.constant 0 : index
    %get3A_1 = vector.load %arg1[%get3A, %get3A_0] : memref<128x1024xf32, #tpu.memory_space<vmem>>, vector<128x1024xf32>
    %get3A_2 = arith.constant 0 : index
    %get3A_3 = arith.constant 0 : index
    %get3A_4 = arith.constant 0 : index
    %get3A_5 = vector.load %arg0[%get3A_2, %get3A_3, %get3A_4] : memref<1x2048x1024xf32, #tpu.memory_space<vmem>>, vector<1x2048x1024xf32>
    %get3A_6 = vector.shape_cast %get3A_5 : vector<1x2048x1024xf32> to vector<2048x1024xf32>
    %dot_general3A = arith.constant dense<0.000000e+00> : vector<128x2048xf32>
    %dot_general3A_7 = tpu.matmul %get3A_1, %get3A_6, %dot_general3A {dimension_numbers = #tpu.dot_dimension_numbers<[1], [1], [0], [0], [0, 0, 1, 0], [], []>, transpose_lhs_hint = false} : vector<128x1024xf32>, vector<2048x1024xf32>, vector<128x2048xf32> -> vector<128x2048xf32>
    %broadcast_in_dim3A = arith.constant -1.000000e+04 : f32
    %broadcast_in_dim3A_8 = vector.broadcast %broadcast_in_dim3A : f32 to vector<72x2048xf32>
    %swap3A = arith.constant 0 : index
    %swap3A_9 = arith.constant 0 : index
    %swap3A_10 = vector.load %arg2[%swap3A, %swap3A_9] : memref<72x2048xf32, #tpu.memory_space<vmem>>, vector<72x2048xf32>
    tpu.vector_store %arg2[%swap3A, %swap3A_9], %broadcast_in_dim3A_8 {strides = array<i32>} : memref<72x2048xf32, #tpu.memory_space<vmem>>, vector<72x2048xf32>,
    %slice3A = vector.extract_strided_slice %dot_general3A_7 {offsets = [0, 0], sizes = [64, 2048], strides = [1, 1]} : vector<128x2048xf32> to vector<64x2048xf32>
    %swap3A_11 = arith.constant 4 : index
    %swap3A_12 = arith.constant 0 : index
    %swap3A_13 = vector.load %arg2[%swap3A_11, %swap3A_12] : memref<72x2048xf32, #tpu.memory_space<vmem>>, vector<64x2048xf32>
    tpu.vector_store %arg2[%swap3A_11, %swap3A_12], %slice3A {strides = array<i32>} : memref<72x2048xf32, #tpu.memory_space<vmem>>, vector<64x2048xf32>,
    %broadcast_in_dim3A_14 = arith.constant -1.000000e+04 : f32
    %broadcast_in_dim3A_15 = vector.broadcast %broadcast_in_dim3A_14 : f32 to vector<8x2048xf32>
    %swap3A_16 = arith.constant 0 : index
    %swap3A_17 = arith.constant 0 : index
    %swap3A_18 = vector.load %arg3[%swap3A_16, %swap3A_17] : memref<8x2048xf32, #tpu.memory_space<vmem>>, vector<8x2048xf32>
    tpu.vector_store %arg3[%swap3A_16, %swap3A_17], %broadcast_in_dim3A_15 {strides = array<i32>} : memref<8x2048xf32, #tpu.memory_space<vmem>>, vector<8x2048xf32>,
    %slice3A_19 = vector.extract_strided_slice %dot_general3A_7 {offsets = [64, 0], sizes = [1, 2048], strides = [1, 1]} : vector<128x2048xf32> to vector<1x2048xf32>
    %swap3A_20 = arith.constant 7 : index
    %swap3A_21 = arith.constant 0 : index
    %swap3A_22 = vector.load %arg3[%swap3A_20, %swap3A_21] : memref<8x2048xf32, #tpu.memory_space<vmem>>, vector<1x2048xf32>
    tpu.vector_store %arg3[%swap3A_20, %swap3A_21], %slice3A_19 {strides = array<i32>} : memref<8x2048xf32, #tpu.memory_space<vmem>>, vector<1x2048xf32>,
    return
  }
}

</mosaic_0001>

<sc_bundles>
// kernel: kernel.4.cloned.1.call-start
scs
__scs_entry_jumppad:
0x0: {  	(pc) =	sbr.rel $0x88, $3  }
0x1: {  	(tag) =	ssettag $0x0;
	lr =	simm.s32 $0x1  }
0x2: {  	[smem:$0x3F9F] =	sst lr;
	_ =	strace $0xD0000000  }
0x3: {  	_ = 	snop  }
0x4: {  	_ = 	snop  }
0x5: {  	_ = 	snop  }
0x6: {  	_ = 	snop  }
0x7: {  	_ = 	snop  }
__scs_overlays_trampoline_lowered:
0x8: {  	[smem:$0x3FAE] =	sst s0  }
0x9: {  	[smem:$0x3FAF] =	sst s1  }
0xa: {  	[smem:$0x3FB0] =	sst s2  }
0xb: {  	[smem:$0x3FB1] =	sst s3  }
0xc: {  	[smem:$0x3FB2] =	sst s4  }
0xd: {  	[smem:$0x3FB3] =	sst s5  }
0xe: {  	[smem:$0x3FB4] =	sst s6  }
0xf: {  	[smem:$0x3FB5] =	sst s7  }
0x10: {  	[smem:$0x3FB6] =	sst s8  }
0x11: {  	[smem:$0x3FB7] =	sst s9;
	s0 =	simm.s32 @!p0 $0x0  }
0x12: {  	s1 =	sld [smem:$0x3F9D];
	s0 =	simm.s32 @p0 $0x1  }
0x13: {  	[smem:$0x3FB8] =	sst s0;
	s0 =	simm.s32 @!p1 $0x0  }
0x14: {  	s2 =	sld [smem:$0x3F9C];
	s0 =	simm.s32 @p1 $0x1  }
0x15: {  	[smem:$0x3FB9] =	sst s0;
	s0 =	simm.s32 @!p2 $0x0  }
0x16: {  	s3 =	sld [smem:$0x3FDB];
	s0 =	simm.s32 @p2 $0x1  }
0x17: {  	s4 =	simm.s32 $0x1BF5;
	[smem:$0x3FBB] =	sst s0  }
0x18: {  	s0 =	sld [smem:$0x3F9E];
	_ =	swait.ge [sflag:s4], $0x0  }
0x19: {  	s7 =	sld [smem:$0x3F9F]  }
0x1a: {  	s8 =	sadd.s32 $0xFFFFE003, lr  }
0x1b: {  	s9 =	sadd.s32 $0xFFFFFEF7, lr;
	s5 =	simm.s32 $0xFFFFFFFF;
	p2 =	slt.u32 s8, $0xFFFFF086  }
0x1c: {  	p1 =	slt.u32 s9, $0xF7A;
	s5 =	simm.s32 @!p2 $0x0  }
0x1d: {  	s5 =	simm.s32 @p1 $0x1;
	p0 =	seq.s32 s7, s2  }
0x1e: {  	s7 =	smul.u32 @!p0 $0xF7A, s2;
	p2 =	seq.s32 @!p0 s5, $0x0  }
0x1f: {  	s9 =	smul.u32 $0xF7A, s1;
	s8 =	simm.s32 @!p0 $0x1BF5;
	p2 =	por !p2, p0  }
0x20: {  	[sflag:s8] =	ssyncset.s32 @!p0 $0xFFFFF086;
	s6 =	sadd.s32 @!p0 s3, s7;
	s7 =	simm.s32 @!p0 $0x108  }
0x21: {  	s3 =	sadd.s32 s3, s9;
	s6 =	sadd.s32 @!p0 $0x88, s6;
	s7 =	simm.s32 @p2 $0x1082  }
0x22: {  	[simem:s7], [sflag:s8] =	dma.local @!p0 [hbm:s6], $0xF7A  }
0x23: {  	s9 =	sor.u32 $0xD0000000, s2;
	s6 =	simm.s32 $0x108;
	_ =	swait.ge @!p0 [sflag:s8], $0x0  }
0x24: {  	s3 =	sadd.s32 $0x88, s3;
	s6 =	simm.s32 @!p1 $0x1082;
	[sflag:s4] =	ssyncset.s32 $0xFFFFF086  }
0x25: {  	[simem:s6], [sflag:s4] =	dma.local [hbm:s3], $0xF7A  }
0x26: {  	[smem:$0x3F9F] =	sst s1;
	(tag) =	ssettag s2;
	_ =	strace s9  }
0x27: {  	s1 =	sld [smem:$0x3FAF]  }
0x28: {  	s2 =	sld [smem:$0x3FB0]  }
0x29: {  	s4 =	sld [smem:$0x3FB2]  }
0x2a: {  	p0 =	seq.s32 s5, $0x0;
	s5 =	sld [smem:$0x3FB3]  }
0x2b: {  	s6 =	sld [smem:$0x3FB4]  }
0x2c: {  	s7 =	sld [smem:$0x3FB5]  }
0x2d: {  	s3 =	simm.s32 $0x108;
	s8 =	sld [smem:$0x3FB6]  }
0x2e: {  	s3 =	simm.s32 @!p0 $0x1082;
	s9 =	sld [smem:$0x3FB7]  }
0x2f: {  	lr =	sadd.s32 s0, s3;
	s0 =	sld [smem:$0x3FAE]  }
0x30: {  	s3 =	sld [smem:$0x3FB1]  }
0x31: {  	[smem:$0x3FBA] =	sst s10  }
0x32: {  	s10 =	sld [smem:$0x3FB8];
	_ =	sdelay $0x3  }
0x33: {  	p0 =	seq.s32 s10, $0x1;
	s10 =	sld [smem:$0x3FBA];
	_ =	sdelay $0x3  }
0x34: {  	[smem:$0x3FBA] =	sst s10  }
0x35: {  	s10 =	sld [smem:$0x3FB9];
	_ =	sdelay $0x3  }
0x36: {  	p1 =	seq.s32 s10, $0x1;
	s10 =	sld [smem:$0x3FBA];
	_ =	sdelay $0x3  }
0x37: {  	[smem:$0x3FBA] =	sst s10  }
0x38: {  	s10 =	sld [smem:$0x3FBB]  }
0x39: {  	_ = 	snop;
	(pc) =	sbr.ind lr, $3  }
0x3a: {  	_ = 	snop  }
0x3b: {  	_ = 	snop  }
0x3c: {  	p2 =	seq.s32 s10, $0x1;
	s10 =	sld [smem:$0x3FBA]  }
0x3d: {  	_ =	shalt  }
0x3e: {  	_ =	shalt  }
0x3f: {  	_ =	shalt  }
0x40: {  	_ =	shalt  }
0x41: {  	_ =	shalt  }
0x42: {  	_ =	shalt  }
0x43: {  	_ =	shalt  }
0x44: {  	_ =	shalt  }
0x45: {  	_ =	shalt  }
0x46: {  	_ =	shalt  }
0x47: {  	_ =	shalt  }
0x48: {  	_ =	shalt  }
0x49: {  	_ =	shalt  }
0x4a: {  	_ =	shalt  }
0x4b: {  	_ =	shalt  }
0x4c: {  	_ =	shalt  }
0x4d: {  	_ =	shalt  }
0x4e: {  	_ =	shalt  }
0x4f: {  	_ =	shalt  }
0x50: {  	_ =	shalt  }
0x51: {  	_ =	shalt  }
0x52: {  	_ =	shalt  }
0x53: {  	_ =	shalt  }
0x54: {  	_ =	shalt  }
0x55: {  	_ =	shalt  }
0x56: {  	_ =	shalt  }
0x57: {  	_ =	shalt  }
0x58: {  	_ =	shalt  }
0x59: {  	_ =	shalt  }
0x5a: {  	_ =	shalt  }
0x5b: {  	_ =	shalt  }
0x5c: {  	_ =	shalt  }
0x5d: {  	_ =	shalt  }
0x5e: {  	_ =	shalt  }
0x5f: {  	_ =	shalt  }
0x60: {  	_ =	shalt  }
0x61: {  	_ =	shalt  }
0x62: {  	_ =	shalt  }
0x63: {  	_ =	shalt  }
0x64: {  	_ =	shalt  }
0x65: {  	_ =	shalt  }
0x66: {  	_ =	shalt  }
0x67: {  	_ =	shalt  }
0x68: {  	_ =	shalt  }
0x69: {  	_ =	shalt  }
0x6a: {  	_ =	shalt  }
0x6b: {  	_ =	shalt  }
0x6c: {  	_ =	shalt  }
0x6d: {  	_ =	shalt  }
0x6e: {  	_ =	shalt  }
0x6f: {  	_ =	shalt  }
0x70: {  	_ =	shalt  }
0x71: {  	_ =	shalt  }
0x72: {  	_ =	shalt  }
0x73: {  	_ =	shalt  }
0x74: {  	_ =	shalt  }
0x75: {  	_ =	shalt  }
0x76: {  	_ =	shalt  }
0x77: {  	_ =	shalt  }
0x78: {  	_ =	shalt  }
0x79: {  	_ =	shalt  }
0x7a: {  	_ =	shalt  }
0x7b: {  	_ =	shalt  }
0x7c: {  	_ =	shalt  }
0x7d: {  	_ =	shalt  }
0x7e: {  	_ =	shalt  }
0x7f: {  	_ =	shalt  }
0x80: {  	_ =	shalt  }
0x81: {  	_ =	shalt  }
0x82: {  	_ =	shalt  }
0x83: {  	_ =	shalt  }
0x84: {  	_ =	shalt  }
0x85: {  	_ =	shalt  }
0x86: {  	_ =	shalt  }
0x87: {  	_ =	shalt  }
.Lfunc_end0:
.L_simem_size_0:
called_computation_lowered:
.L_overlay_start_0:
0x88: {  	s2 =	sld [smem:$0x3FD9]  }
0x89: {  	s3 =	sld [smem:$0x3FFE];
	_ =	sdelay $0x1  }
0x8a: {  	s1 =	srdreg.scid  }
0x8b: {  	s0 =	sand.u32 $0x1, s1  }
0x8c: {  	s17 =	sshll.u32 s0, $0xA;
	s2 =	sadd.s32 s3, s2  }
0x8d: {  	s2 =	sadd.s32 s2, s17  }
0x8e: {  	[smem:$0x3FC6] =	sst s2  }
0x8f: {  	_ = 	snop  }
0x90: {  	s2 =	sld [smem:$0x3FD0];
	(tm) =	ssettm $0x1  }
0x91: {  	s18 =	sld [smem:$0x3FFB];
	_ =	sdelay $0x3  }
0x92: {  	_ =	strace s18  }
0x93: {  	s3 =	sld [smem:$0x3FFC];
	_ =	sdelay $0x3  }
0x94: {  	_ =	strace s3  }
0x95: {  	s3 =	sld [smem:$0x3FFD];
	_ =	sdelay $0x3  }
0x96: {  	_ =	strace s3  }
0x97: {  	_ =	strace $0x8FFFFFFF  }
0x98: {  	s19 =	sld [smem:$0x3FDB];
	_ =	sdelay $0x1  }
0x99: {  	s4 =	simm.s32 $_scs_section_size  }
0x9a: {  	s5 =	simm.s32 $_size__tile_overlayer_lowered;
	s6 =	simm.s32 $_tile_overlayer_lowered  }
0x9b: {  	s22 =	simm.s32 $0x1BFF;
	s21 =	sshll.u32 s6, $0x1;
	s3 =	sadd.s32 s4, s19  }
0x9c: {  	s7 =	simm.s32 $0x0;
	s20 =	sshll.u32 s5, $0x1;
	s5 =	sadd.s32 s21, s3  }
0x9d: {  	[timem:s7], [sflag:s22] =	dma.local [hbm:s5], s20  }
0x9e: {  	_ =	swait.ge [sflag:s22], s20  }
0x9f: {  	s4 =	ssub.s32 $0x0, s20;
	[sflag:s22] =	ssyncset.done $0x0  }
0xa0: {  	[sflag:s22] =	ssyncadd.s32 s4;
	_ =	sdelay $0x1  }
0xa1: {  	s23 =	simm.s32 $0x1B8B  }
0xa2: {  	_ =	swait.ge [sflag:s23], $0x1  }
0xa3: {  	[sflag:s23] =	ssyncset.done $0x0  }
0xa4: {  	s25 =	simm.s32 $0x1B8E;
	s24 =	sld [smem:$0x3FFE];
	[sflag:s23] =	ssyncadd.s32 $0xFFFFFFFF  }
0xa5: {  	s26 =	simm.s32 $execute0_lowered;
	[smem:$0x3FD2] =	sst s25  }
0xa6: {  	s5 =	sshll.u32 s26, $0x1;
	_ =	strace $0x80000046;
	[dreg:$0x1] =	wrdreg $0xFFFFFFFF  }
0xa7: {  	s28 =	simm.s32 $_size_execute0_lowered;
	s3 =	sadd.s32 s3, s5;
	[dreg:$0x0] =	wrdreg $0x0  }
0xa8: {  	s5 =	sshll.u32 s28, $0x1;
	[dreg:$0x2] =	wrdreg s3  }
0xa9: {  	[dreg:$0x3] =	wrdreg s5  }
0xaa: {  	[dreg:$0x4] =	wrdreg $0xC0  }
0xab: {  	_ =	task [dreg:s7], $0x5FFFF  }
0xac: {  	[dreg:$0x1] =	wrdreg $0xFFFFFFFF  }
0xad: {  	[dreg:$0x0] =	wrdreg $0x60  }
0xae: {  	[dreg:$0x2] =	wrdreg s24  }
0xaf: {  	[dreg:$0x3] =	wrdreg s2  }
0xb0: {  	[dreg:$0x4] =	wrdreg $0x9  }
0xb1: {  	_ =	task.clear_ibuf [dreg:s7], $0x5FFFF;
	_ =	strace $0x90000046  }
0xb2: {  	s29 =	simm.s32 $0x9;
	_ =	strace $0x80000048  }
0xb3: {  	_ =	swait.ge [sflag:s29], $0x1  }
0xb4: {  	[sflag:s29] =	ssyncadd.s32 $0xFFFFFFFF  }
0xb5: {  	_ =	strace $0x90000048  }
0xb6: {  	_ =	sfence  }
0xb7: {  	s30 =	sld [smem:$0x0];
	_ =	sdelay $0x2  }
0xb8: {  	s31 =	sshll.u32 s1, $0xD;
	s1 =	sshrl.u32 s1, $0x2  }
0xb9: {  	s3 =	sand.u32 $0x4000, s31;
	s1 =	sadd.s32 s1, s30  }
0xba: {  	s0 =	sor.u32 s3, s0;
	s1 =	sshll.u32 s1, $0x11  }
0xbb: {  	s0 =	sor.u32 s1, s0  }
0xbc: {  	s0 =	sadd.s32 $0x8F2B, s0  }
0xbd: {  	[sflag:s0] =	ssyncadd.remote.s32 $0x1  }
0xbe: {  	_ =	sfence.sel $0xFFFF  }
0xbf: {  	[dreg:$0x0] =	wrdreg $0xFFFFFFFF;
	(pc) =	sbr.abs _section_cstart, $3  }
0xc0: {  	[dreg:$0x1] =	wrdreg $0xFFFFFFFF  }
0xc1: {  	_ =	task.clear_ibuf [dreg:s7], $0x2FFFF;
	_ =	strace $0x9FFFFFFF  }
0xc2: {  	(tm) =	ssettm $0x7FFFFFFF  }
0xc3: {  	_ =	shalt  }
tec
execute0_lowered:
.L_overlay_start_1:
0x0: {  	(tag) =	ssettag $0x1  }
0x1: {  	s5 =	rddreg [dreg:$0x0]  }
0x2: {  	s1 =	rddreg [dreg:$0x1]  }
0x3: {  	s0 =	rddreg [dreg:$0x2]  }
0x4: {  	s3 =	simm.s32 $0x0;
	s6 =	srdreg.scid;
	s2 =	stileid.u32  }
0x5: {  	s19 =	simm.s32 $0x2;
	s20 =	simm.s32 $0x0;
	[smem:$0x7FF] =	sst s3  }
0x6: {  	s4 =	sadd.s32 $0xC00, s5;
	s10 =	sand.u32 $0x1, s6;
	s30 =	sshll.u32 s2, $0x1  }
0x7: {  	s5 =	sadd.s32 $0x5400, s5;
	s6 =	simm.s32 $0x60;
	s31 =	sshll.u32 s2, $0x11  }
0x8: {  	s15 =	sadd.s32 $0x1000, s1;
	_ =	strace $0x80000047;
	s7 =	ssub.s32 $0x2, s10  }
0x9: {  	s18 =	sor.u32 s10, s30;
	s14 =	sshll.u32 s10, $0x10;
	s8 =	sshrl.u32 s7, $0x1  }
0xa: {  	p0 =	slt.u32 s18, $0x19;
	s11 =	sshll.u32 s18, $0x10;
	s12 =	sshll.u32 s18, $0xD  }
0xb: {  	s14 =	sor.u32 s14, s31;
	s9 =	ssub.s32 s7, s8;
	s6 =	simm.s32 @!p0 $0x5F  }
0xc: {  	s7 =	sadd.s32 $0x6000, s1;
	s8 =	sadd.s32 $0x3E000, s1;
	s11 =	sadd.s32 $0x1F0000, s11  }
.Ltmp0:
0xd: {  	s13 =	sadd.s32 s1, s12;
	s16 =	sadd.s32 $0x9B0000, s14;
	(pc) =	sbr.rel .LBB2_1-.Ltmp0, $4  }
0xe: {  	s14 =	sadd.s32 $0x800, s1;
	p0 =	seq.s32 s18, $0x0;
	s18 =	simm.s32 $0x1  }
0xf: {  	s9 =	smax.u32 s9, $0x1;
	s11 =	sshrl.u32 s11, $0x3;
	s12 =	sadd.s32 $0xBA000, s13  }
0x10: {  	s17 =	sshrl.u32 s16, $0x3;
	s16 =	sadd.s32 $0x1800, s1;
	s10 =	sadd.s32 s1, s11  }
0x11: {  	v0 =	vimm.f32 $-1.000000000e+04;
	s11 =	sadd.s32 $0x7C000, s13;
	s13 =	sadd.s32 $0xF8000, s13;
	s17 =	sadd.s32 s17, s1  }
.LBB2_6:
0x12: {  	[sflag:s18] =	ssyncadd.s32 $0xFFFF0000  }
0x13: {  	_ =	swait.ge [sflag:s18], $0x10000  }
0x14: {  	[sflag:s18] =	ssyncset.done $0x0  }
0x15: {  	[sflag:s18] =	ssyncadd.s32 $0xFFFF0000  }
0x16: {  	_ =	swait.ge [sflag:s18], $0x10000  }
0x17: {  	[sflag:s18] =	ssyncset.done $0x0  }
0x18: {  	[sflag:s18] =	ssyncadd.s32 $0xFFFF0000  }
0x19: {  	_ =	swait.ge [sflag:s18], $0x10000  }
0x1a: {  	[sflag:s18] =	ssyncset.done $0x0  }
0x1b: {  	[sflag:s18] =	ssyncadd.s32 $0xFFFF0000  }
0x1c: {  	_ =	swait.ge [sflag:s18], $0x10000  }
0x1d: {  	[sflag:s18] =	ssyncset.done $0x0  }
0x1e: {  	[sflag:s18] =	ssyncadd.s32 $0xFFFF0000  }
.LBB2_10:
0x1f: {  	s20 =	sadd.s32 $0x1, s20  }
0x20: {  	p1 =	sne.s32 s20, s9  }
.Ltmp1:
0x21: {  	_ = 	snop;
	(pc) =	sbr.rel @!p1 .LBB2_11-.Ltmp1, $1  }
0x22: {  	_ =	sdelay $0x3  }
.LBB2_1:
0x23: {  	s21 =	sand.u32 $0x70, s3;
	s22 =	sand.u32 $0x3C00, s3  }
0x24: {  	s21 =	sor.u32 s21, s22  }
0x25: {  	[tilespmem:s21+$0x80] =	vst v0  }
0x26: {  	[tilespmem:s21+$0x100] =	vst v0  }
0x27: {  	s25 =	sand.u32 $0x7, s3;
	[tilespmem:s21+$0x180] =	vst v0  }
0x28: {  	s23 =	simm.s32 $0x10;
	s24 =	simm.s32 $0x0;
	s22 =	simm.s32 $0x0;
	[tilespmem:s21+$0x200] =	vst v0  }
.LBB2_2:
0x29: {  	p1 =	sne.s32 s23, $0x7F0;
	s25 =	sshll.u32 s25, $0x4;
	[tilespmem:s21+$0x280] =	vst v0  }
0x2a: {  	s25 =	sadd.s32 s25, s22;
	[tilespmem:s21+$0x300] =	vst v0  }
0x2b: {  	[tilespmem:s21+$0x0] =	vst v0;
	s25 =	sor.u32 $0x380, s25  }
0x2c: {  	[tilespmem:s25+$0x0] =	vst v0  }
0x2d: {  	[tilespmem:s21+$0x4000] =	vst v0  }
0x2e: {  	[tilespmem:s21+$0x4080] =	vst v0  }
0x2f: {  	[tilespmem:s21+$0x4100] =	vst v0  }
0x30: {  	[tilespmem:s21+$0x4180] =	vst v0  }
0x31: {  	[tilespmem:s21+$0x4200] =	vst v0  }
0x32: {  	[tilespmem:s21+$0x4280] =	vst v0  }
0x33: {  	[tilespmem:s21+$0x4300] =	vst v0  }
0x34: {  	[tilespmem:s21+$0x4380] =	vst v0  }
0x35: {  	[tilespmem:s21+$0x8000] =	vst v0  }
0x36: {  	[tilespmem:s21+$0x8080] =	vst v0  }
0x37: {  	[tilespmem:s21+$0x8100] =	vst v0  }
0x38: {  	[tilespmem:s21+$0x8180] =	vst v0  }
0x39: {  	[tilespmem:s21+$0x8200] =	vst v0  }
0x3a: {  	[tilespmem:s21+$0x8280] =	vst v0  }
0x3b: {  	[tilespmem:s21+$0x8300] =	vst v0  }
0x3c: {  	[tilespmem:s21+$0x8380] =	vst v0  }
0x3d: {  	[tilespmem:s21+$0xC000] =	vst v0  }
0x3e: {  	[tilespmem:s21+$0xC080] =	vst v0  }
0x3f: {  	[tilespmem:s21+$0xC100] =	vst v0  }
0x40: {  	[tilespmem:s21+$0xC180] =	vst v0  }
0x41: {  	[tilespmem:s21+$0xC200] =	vst v0  }
0x42: {  	s22 =	sadd.s32 $0x80, s22;
	[tilespmem:s21+$0xC280] =	vst v0  }
0x43: {  	s26 =	sand.u32 $0x3C00, s22;
	s25 =	sand.u32 $0x70, s23;
	[tilespmem:s21+$0xC300] =	vst v0  }
.Ltmp2:
0x44: {  	[tilespmem:s21+$0xC380] =	vst v0;
	s21 =	sor.u32 s25, s26;
	(pc) =	sbr.rel @p1 .LBB2_2-.Ltmp2, $4  }
0x45: {  	[tilespmem:s21+$0x80] =	vst v0  }
0x46: {  	[tilespmem:s21+$0x100] =	vst v0  }
0x47: {  	s24 =	sadd.s32 $0x1, s24;
	[tilespmem:s21+$0x180] =	vst v0  }
0x48: {  	s23 =	sadd.s32 $0x10, s23;
	s25 =	sand.u32 $0x7, s24;
	[tilespmem:s21+$0x200] =	vst v0  }
0x49: {  	s23 =	sshll.u32 s25, $0x4;
	[tilespmem:s21+$0x280] =	vst v0  }
0x4a: {  	[tilespmem:s21+$0x300] =	vst v0;
	s22 =	sadd.s32 s23, s22  }
0x4b: {  	[tilespmem:s21+$0x0] =	vst v0;
	s22 =	sor.u32 $0x380, s22  }
0x4c: {  	[tilespmem:s22+$0x0] =	vst v0  }
0x4d: {  	[tilespmem:s21+$0x4000] =	vst v0  }
0x4e: {  	[tilespmem:s21+$0x4080] =	vst v0  }
0x4f: {  	[tilespmem:s21+$0x4100] =	vst v0  }
0x50: {  	[tilespmem:s21+$0x4180] =	vst v0  }
0x51: {  	[tilespmem:s21+$0x4200] =	vst v0  }
0x52: {  	[tilespmem:s21+$0x4280] =	vst v0  }
0x53: {  	[tilespmem:s21+$0x4300] =	vst v0  }
0x54: {  	[tilespmem:s21+$0x4380] =	vst v0  }
0x55: {  	[tilespmem:s21+$0x8000] =	vst v0  }
0x56: {  	[tilespmem:s21+$0x8080] =	vst v0  }
0x57: {  	[tilespmem:s21+$0x8100] =	vst v0  }
0x58: {  	[tilespmem:s21+$0x8180] =	vst v0  }
0x59: {  	[tilespmem:s21+$0x8200] =	vst v0  }
0x5a: {  	[tilespmem:s21+$0x8280] =	vst v0  }
0x5b: {  	[tilespmem:s21+$0x8300] =	vst v0  }
0x5c: {  	[tilespmem:s21+$0x8380] =	vst v0  }
0x5d: {  	[tilespmem:s21+$0xC000] =	vst v0  }
0x5e: {  	[tilespmem:s21+$0xC080] =	vst v0  }
0x5f: {  	[tilespmem:s21+$0xC100] =	vst v0  }
.Ltmp3:
0x60: {  	[tilespmem:s21+$0xC180] =	vst v0;
	(pc) =	sbr.rel @p0 .LBB2_7-.Ltmp3, $4  }
0x61: {  	[tilespmem:s21+$0xC200] =	vst v0  }
0x62: {  	[tilespmem:s21+$0xC280] =	vst v0  }
0x63: {  	[tilespmem:s21+$0xC300] =	vst v0  }
0x64: {  	[tilespmem:s21+$0xC380] =	vst v0  }
0x65: {  	[hbm4b:s10+s3] =	stream.linear.scatter [tilespmem:s3], [sflag:$0x1], $0x10000, $0x38;
	[tilespmem:$0x10000] =	vst v63  }
0x66: {  	_ = 	snop  }
0x67: {  	[hbm4b:s11+s3] =	stream.linear.scatter [tilespmem:s3], [sflag:$0x1], $0x10000, $0x38;
	[tilespmem:$0x10000] =	vst v63  }
0x68: {  	_ = 	snop  }
0x69: {  	[hbm4b:s12+s3] =	stream.linear.scatter [tilespmem:s3], [sflag:$0x1], $0x10000, $0x38;
	[tilespmem:$0x10000] =	vst v63  }
0x6a: {  	p1 =	sne.s32 s6, $0x1  }
0x6b: {  	[hbm4b:s13+s3] =	stream.linear.scatter [tilespmem:s3], [sflag:$0x1], $0x10000, $0x38;
	[tilespmem:$0x10000] =	vst v63  }
.Ltmp4:
0x6c: {  	_ = 	snop;
	(pc) =	sbr.rel @!p1 .LBB2_6-.Ltmp4, $4  }
0x6d: {  	_ = 	snop  }
0x6e: {  	[hbm4b:s17+s3] =	stream.linear.scatter [tilespmem:s3], [sflag:$0x1], $0x10000, $0x38;
	[tilespmem:$0x10000] =	vst v63  }
0x6f: {  	_ =	swait.ge [sflag:s18], $0x10000  }
0x70: {  	s21 =	sadd.s32 $0xFFFFFFFF, s6;
	s22 =	smov.u32 s17;
	[sflag:s18] =	ssyncset.done $0x0  }
.LBB2_5:
0x71: {  	p1 =	sne.s32 s21, $0x1;
	[sflag:s18] =	ssyncadd.s32 $0xFFFF0000;
	s22 =	sadd.s32 $0x3E000, s22  }
.Ltmp5:
0x72: {  	s21 =	sadd.s32 $0xFFFFFFFF, s21;
	(pc) =	sbr.rel @p1 .LBB2_5-.Ltmp5, $4  }
0x73: {  	_ = 	snop  }
0x74: {  	[hbm4b:s22+s3] =	stream.linear.scatter [tilespmem:s3], [sflag:$0x1], $0x10000, $0x38;
	[tilespmem:$0x10000] =	vst v63  }
0x75: {  	_ =	swait.ge [sflag:s18], $0x10000  }
0x76: {  	[sflag:s18] =	ssyncset.done $0x0  }
.Ltmp6:
0x77: {  	_ = 	snop;
	(pc) =	sbr.rel .LBB2_6-.Ltmp6, $1  }
0x78: {  	_ =	sdelay $0x3  }
.LBB2_7:
0x79: {  	[hbm4b:s1+s3] =	stream.linear.scatter [tilespmem:s3], [sflag:$0x1], $0x4000, $0x38;
	[tilespmem:$0x10000] =	vst v63  }
0x7a: {  	p1 =	por $0x1, $0x1;
	s21 =	simm.s32 $0x9  }
0x7b: {  	p2 =	por $0x1, $0x1;
	s21 =	simm.s32 @!p1 $0xA  }
0x7c: {  	[hbm4b:s14+s3] =	stream.linear.scatter [tilespmem:s3], [sflag:$0x1], $0x4000, $0x38;
	[tilespmem:$0x10000] =	vst v63  }
0x7d: {  	s21 =	simm.s32 @p2 $0x0  }
0x7e: {  	s21 =	sadd.s32 $0x4, s21  }
0x7f: {  	[hbm4b:s15+s3] =	stream.linear.scatter [tilespmem:s3], [sflag:$0x1], $0x4000, $0x38;
	[tilespmem:$0x10000] =	vst v63  }
0x80: {  	s22 =	simm.s32 $0x9;
	s21 =	sshll.u32 s21, $0xB  }
0x81: {  	[hbm4b:s16+s3] =	stream.linear.scatter [tilespmem:s3], [sflag:$0x1], $0x4000, $0x38;
	[tilespmem:$0x10000] =	vst v63  }
0x82: {  	s23 =	simm.s32 $0x6;
	p1 =	por $0x1, $0x1;
	s21 =	sadd.s32 s1, s21  }
0x83: {  	[hbm4b:s21+s3] =	stream.linear.scatter [tilespmem:s3], [sflag:$0x1], $0x4000, $0x38;
	[tilespmem:$0x10000] =	vst v63  }
0x84: {  	p2 =	por $0x1, $0x1;
	s22 =	simm.s32 @!p1 $0xA;
	_ =	swait.ge [sflag:s18], $0x4000  }
0x85: {  	s22 =	simm.s32 @p2 $0x0;
	s21 =	simm.s32 $0x5;
	[sflag:s18] =	ssyncset.done $0x0  }
.LBB2_8:
0x86: {  	s22 =	sadd.s32 s21, s22  }
0x87: {  	[sflag:s18] =	ssyncadd.s32 $0xFFFFC000;
	s21 =	smov.u32 s23;
	s24 =	sadd.s32 $0x1, s23  }
0x88: {  	p1 =	sne.s32 s23, $0x75;
	s22 =	sshll.u32 s22, $0xB  }
.Ltmp7:
0x89: {  	p2 =	slt.u32 s21, $0x73;
	s22 =	sadd.s32 s1, s22;
	(pc) =	sbr.rel @p1 .LBB2_8-.Ltmp7, $4  }
0x8a: {  	[hbm4b:s22+s3] =	stream.linear.scatter [tilespmem:s3], [sflag:$0x1], $0x4000, $0x38;
	[tilespmem:$0x10000] =	vst v63  }
0x8b: {  	s22 =	simm.s32 $0x9  }
0x8c: {  	p3 =	slt.u32 s21, $0xC;
	s22 =	simm.s32 @!p2 $0xA;
	_ =	swait.ge [sflag:s18], $0x4000  }
0x8d: {  	s23 =	smov.u32 s24;
	s22 =	simm.s32 @p3 $0x0;
	[sflag:s18] =	ssyncset.done $0x0  }
0x8e: {  	s21 =	sadd.s32 s21, s22  }
0x8f: {  	s21 =	sshll.u32 s21, $0xB  }
0x90: {  	[sflag:s18] =	ssyncadd.s32 $0xFFFFC000;
	s21 =	sadd.s32 s1, s21  }
0x91: {  	[hbm4b:s21+s3] =	stream.linear.scatter [tilespmem:s3], [sflag:$0x1], $0x4000, $0x38;
	[tilespmem:$0x10000] =	vst v63  }
0x92: {  	_ =	swait.ge [sflag:s18], $0x4000  }
0x93: {  	[sflag:s18] =	ssyncset.done $0x0  }
0x94: {  	[sflag:s18] =	ssyncadd.s32 $0xFFFFC000  }
0x95: {  	_ =	swait.ge [sflag:s18], $0x4000  }
0x96: {  	[sflag:s18] =	ssyncset.done $0x0  }
0x97: {  	[sflag:s18] =	ssyncadd.s32 $0xFFFFC000  }
0x98: {  	_ =	swait.ge [sflag:s18], $0x4000  }
0x99: {  	[sflag:s18] =	ssyncset.done $0x0  }
0x9a: {  	[sflag:s18] =	ssyncadd.s32 $0xFFFFC000  }
0x9b: {  	_ =	swait.ge [sflag:s18], $0x4000  }
0x9c: {  	[sflag:s18] =	ssyncset.done $0x0  }
0x9d: {  	[sflag:s18] =	ssyncadd.s32 $0xFFFFC000  }
0x9e: {  	_ =	swait.ge [sflag:s18], $0x4000  }
0x9f: {  	s31 =	sshll.u32 s2, $0x6;
	[sflag:s18] =	ssyncset.done $0x0  }
0xa0: {  	s21 =	sor.u32 $0x1C02, s31;
	[sflag:s18] =	ssyncadd.s32 $0xFFFFC000  }
0xa1: {  	[hbm:s7], [sflag:s21] =	dma.local [hbm:s4], $0x4800  }
0xa2: {  	_ =	swait.ge [sflag:s19], $0x4800  }
0xa3: {  	[sflag:s19] =	ssyncset.done $0x0  }
.Ltmp8:
0xa4: {  	[sflag:s19] =	ssyncadd.s32 $0xFFFFB800;
	(pc) =	sbr.rel .LBB2_10-.Ltmp8, $4  }
0xa5: {  	[hbm:s8], [sflag:s21] =	dma.local [hbm:s5], $0x800  }
0xa6: {  	_ =	swait.ge [sflag:s19], $0x800  }
0xa7: {  	[sflag:s19] =	ssyncset.done $0x0  }
0xa8: {  	[sflag:s19] =	ssyncadd.s32 $0xFFFFF800  }
.LBB2_11:
0xa9: {  	_ =	sfence.sel $0x180000  }
0xaa: {  	[bflag:$0x0] =	sbarrier.arrive $0xFFFF  }
0xab: {  	p0 =	sne.s32 s2, $0x0;
	_ =	strace $0x90000047  }
0xac: {  	s0 =	sadd.s32 @!p0 $0x100000, s0;
	[bflag:$0x2] =	sbarrier.arrive $0xFFFF  }
0xad: {  	[sflag:s0] =	ssyncadd.tile.s32 @!p0 $0x1;
	_ =	shalt  }
.Lfunc_end2:
_tile_overlayer_lowered:
.L_overlay_start_2:
0xae: {  	(tag) =	ssettag $0x2  }
0xaf: {  	s0 =	rddreg [dreg:$0x0];
	s2 =	stileid.u32  }
0xb0: {  	s1 =	rddreg [dreg:$0x1];
	p0 =	sne.s32 s2, $0x0  }
0xb1: {  	s3 =	rddreg [dreg:$0x2];
	[bflag:$0x3] =	sbarrier.arrive $0xFFFF;
	s2 =	simm.s32 @!p0 $0x1C02  }
0xb2: {  	[timem:s3], [sflag:s2] =	dma.local @!p0 [hbm:s0], s1  }
0xb3: {  	s0 =	simm.s32 @!p0 $0x2  }
0xb4: {  	_ =	swait.ge @!p0 [sflag:s0], s1  }
0xb5: {  	s1 =	ssub.s32 @!p0 $0x0, s1;
	[sflag:s0] =	ssyncset.done @!p0 $0x0  }
0xb6: {  	[sflag:s0] =	ssyncadd.s32 @!p0 s1  }
0xb7: {  	[bflag:$0x3] =	sbarrier.arrive $0xFFFF  }
0xb8: {  	_ =	shalt  }

</sc_bundles>
